<compile_context>
chip_gen: v7x
topology: tpu7x:2x2x1
jax: 0.10.2.dev20260603
libtpu: 0.0.44.dev20260713+nightly
codegen_flags: <defaults>
</compile_context>

<pallas_src>
import functools

import jax
import jax.numpy as jnp
import numpy as np
from jax import lax
from jax.experimental import pallas as pl
from jax.experimental.pallas import tpu as pltpu
from jax.experimental.pallas import tpu_sc as plsc

PATCH = 16
STDDEV = 2.0
KC = 16


_U32 = np.uint32


def _threefry2x32_np(k1, k2, x0, x1):
    def rotl(x, d):
        return (x << _U32(d)) | (x >> _U32(32 - d))

    rots = [(13, 15, 26, 6), (17, 29, 16, 24)]
    ks = [_U32(k1), _U32(k2), _U32(k1) ^ _U32(k2) ^ _U32(0x1BD11BDA)]
    x = [x0 + ks[0], x1 + ks[1]]
    with np.errstate(over="ignore"):
        for i in range(5):
            for r in rots[i % 2]:
                x[0] = x[0] + x[1]
                x[1] = rotl(x[1], r)
                x[1] = x[0] ^ x[1]
            x[0] = x[0] + ks[(i + 1) % 3]
            x[1] = x[1] + ks[(i + 2) % 3] + _U32(i + 1)
    return x


def _random_bits_np(k1, k2, n):
    if jax.config.jax_threefry_partitionable:
        idx = np.arange(n, dtype=np.uint64)
        c1 = (idx >> np.uint64(32)).astype(_U32)
        c2 = (idx & np.uint64(0xFFFFFFFF)).astype(_U32)
        b1, b2 = _threefry2x32_np(k1, k2, c1, c2)
        return b1 ^ b2
    odd = n % 2
    cnt = np.arange(n + odd, dtype=_U32)
    half = len(cnt) // 2
    o1, o2 = _threefry2x32_np(k1, k2, cnt[:half], cnt[half:])
    out = np.concatenate([o1, o2])
    return out[:n] if odd else out


def _erfinv_np(x):
    x = np.asarray(x, np.float64)
    w = -np.log1p(-x * x)
    ws = w - 2.5
    p_small = np.float64(2.81022636e-08)
    for c in (3.43273939e-07, -3.5233877e-06, -4.39150654e-06, 0.00021858087,
              -0.00125372503, -0.00417768164, 0.246640727, 1.50140941):
        p_small = p_small * ws + c
    wl = np.sqrt(np.maximum(w, 1e-30)) - 3.0
    p_large = np.float64(-0.000200214257)
    for c in (0.000100950558, 0.00134934322, -0.00367342844, 0.00573950773,
              -0.0076224613, 0.00943887047, 1.00167406, 2.83297682):
        p_large = p_large * wl + c
    return np.where(w < 5.0, p_small, p_large) * x


def _shift_map_np(B, H, W):
    HP, WP = H // PATCH, W // PATCH
    n = B * HP * WP
    bits = _random_bits_np(0, 42, n)
    fb = (bits >> _U32(9)) | _U32(0x3F800000)
    f = fb.view(np.float32) - np.float32(1.0)
    lo = np.float32(np.nextafter(np.float32(-1.0), np.float32(0.0)))
    hi = np.float32(1.0)
    u = np.maximum(lo, (f * (hi - lo) + lo).astype(np.float32))
    normal = np.sqrt(2.0) * _erfinv_np(u.astype(np.float64))
    m = np.abs(normal * STDDEV)
    return m.astype(np.int32).reshape(B, HP, WP)


@functools.lru_cache(maxsize=None)
def _row_shifts(B, H, W, NW, NQ, UP):
    s_np = _shift_map_np(B, H, W)
    sv = np.repeat(s_np, PATCH, axis=1)
    RPT = H // NW
    out = np.zeros((NW, B, RPT, NQ, 16), np.int32)
    for t in range(NW):
        blk = sv[:, t * RPT:(t + 1) * RPT, :]
        out[t, :, :, :, :UP] = blk.reshape(B, RPT, NQ, UP)
    return out.reshape(-1)


def kernel(inputs):
    x = inputs
    B, H, W, C = x.shape
    info = plsc.get_sparse_core_info()
    NC, NS = info.num_cores, info.num_subcores
    NW = NC * NS
    RPT = H // NW
    PW = 128
    NQ = W // PW
    UP = PW // PATCH
    T = B * RPT * NQ
    shifts = _row_shifts(B, H, W, NW, NQ, UP)
    assert int(shifts.max()) < C

    xt = jnp.transpose(x, (0, 1, 3, 2))

    mesh = plsc.VectorSubcoreMesh(core_axis_name="c", subcore_axis_name="s")

    @functools.partial(
        pl.kernel,
        mesh=mesh,
        out_type=jax.ShapeDtypeStruct((B, H, C, W), jnp.float32),
        scratch_types=[
            pltpu.VMEM((B * RPT * NQ * 16,), jnp.int32),
            pltpu.VMEM((2, C, PW), jnp.float32),
            pltpu.VMEM((2, C, PW), jnp.float32),
            pltpu.SemaphoreType.DMA,
            pltpu.SemaphoreType.DMA,
        ],
    )
    def sc_rot(x_ref, vs_ref, out_ref, vsbuf, inb, outb, sem_in, sem_out):
        wid = lax.axis_index("s") * NC + lax.axis_index("c")
        h0 = wid * RPT
        NV = B * RPT * NQ * 16
        pltpu.sync_copy(vs_ref.at[pl.ds(wid * NV, NV)], vsbuf)

        def gather_piece(b, k, q, slot):
            pltpu.async_copy(
                x_ref.at[b, h0 + k, :, pl.ds(q * PW, PW)], inb.at[slot],
                sem_in)

        def wait_gather(slot):
            pltpu.make_async_copy(
                x_ref.at[0, 0, :, pl.ds(0, PW)], inb.at[slot], sem_in).wait()

        def wait_scatter(slot):
            pltpu.make_async_copy(
                outb.at[slot], out_ref.at[0, 0, :, pl.ds(0, PW)],
                sem_out).wait()

        def advance(b, k, q):
            qn = q + 1
            wrapq = qn >= NQ
            kn = jnp.where(wrapq, k + 1, k)
            qn = jnp.where(wrapq, 0, qn)
            wrapk = kn >= RPT
            bn = jnp.where(wrapk, b + 1, b)
            kn = jnp.where(wrapk, 0, kn)
            return bn, kn, qn

        gather_piece(0, 0, 0, 0)

        def piece(t, carry):
            b, k, q = carry
            nxt = advance(b, k, q)
            slot = lax.rem(t, 2)
            nslot = lax.rem(t + 1, 2)

            @pl.when(t >= 1)
            def _():
                wait_scatter(nslot)

            @pl.when(t + 1 < T)
            def _():
                gather_piece(nxt[0], nxt[1], nxt[2], nslot)

            wait_gather(slot)
            voff = ((b * RPT + k) * NQ + q) * 16
            vv = vsbuf[pl.ds(voff, 16)]
            svals = [vv[u] for u in range(UP)]

            @plsc.parallel_loop(0, C, unroll=8)
            def _(c):
                for u in range(UP):
                    src = c + svals[u]
                    src = jnp.where(src >= C, src - C, src)
                    outb[slot, c, pl.ds(u * PATCH, PATCH)] = (
                        inb[slot, src, pl.ds(u * PATCH, PATCH)])
            pltpu.async_copy(
                outb.at[slot],
                out_ref.at[b, h0 + k, :, pl.ds(q * PW, PW)], sem_out)
            return nxt

        lax.fori_loop(0, T, piece,
                      (jnp.int32(0), jnp.int32(0), jnp.int32(0)))
        wait_scatter(lax.rem(T - 1, 2))

    out = sc_rot(xt, jnp.asarray(shifts))
    return jnp.transpose(out, (0, 1, 3, 2))

# --- scband reference (transcript-rebuilt; emitter-appended) ---
"""Pipeline reference for scband-gconfusion-68229850464432 (READ-ONLY COPY).

The authoritative reference and input builder live on the scoring server;
editing this copy changes nothing except your own understanding.
"""

import jax, jax.numpy as jnp
import numpy as np

PATCH_SIZE = 16
STDDEV = 2.0

def setup_inputs(seed: int = 0) -> dict:
    key = jax.random.key(seed)
    x = jax.random.normal(key, (4, 384, 384, 96), dtype=jnp.float32)
    return {"inputs": x}

def reference(inputs):
    x = inputs
    B, H, W, C = x.shape
    ps = PATCH_SIZE
    # random per-patch offset map, |N(0, stddev)| -> int32 (training-phase path)
    mkey = jax.random.key(42)
    m = jnp.abs(jax.random.normal(mkey, (B, H // ps, W // ps, 1), dtype=jnp.float32) * STDDEV)
    m = jnp.repeat(m, ps, axis=1)
    m = jnp.repeat(m, ps, axis=2)
    m = m.astype(jnp.int32)                      # [B, H, W, 1]
    base = m[..., 0]                             # [B, H, W]
    # linspace(map, map+C-1, C) with integer endpoints == map + arange(C)
    idx = (base[..., None] + jnp.arange(C, dtype=jnp.int32)[None, None, None, :]) % C  # [B,H,W,C]
    # tf.gather(x, indices, batch_dims=-1): per-element gather along channel axis
    out = jnp.take_along_axis(x, idx, axis=-1)
    return out

if __name__ == "__main__":
    import jax
    _d = setup_inputs()
    print(jax.jit(kernel)(*tuple(_d.values())))

</pallas_src>

<mosaic_0001>
#map = affine_map<(d0, d1) -> (0, 0, 0, 0)>
#map1 = affine_map<(d0, d1) -> (0)>
module attributes {stable_mosaic.version = 14 : i64} {
  func.func @sc_rot(%arg0: i32, %arg1: i32, %arg2: memref<4x384x96x384xf32, #tpu.memory_space<hbm>>, %arg3: memref<73728xi32, #tpu.memory_space<hbm>>, %arg4: memref<4x384x96x384xf32, #tpu.memory_space<hbm>>, %arg5: memref<2304xi32, #tpu.memory_space<vmem>>, %arg6: memref<2x96x128xf32, #tpu.memory_space<vmem>>, %arg7: memref<2x96x128xf32, #tpu.memory_space<vmem>>, %arg8: memref<!tpu.dma_semaphore, #tpu.memory_space<semaphore_mem>>, %arg9: memref<!tpu.dma_semaphore, #tpu.memory_space<semaphore_mem>>) attributes {dimension_semantics = [#tpu.dimension_semantics<core_parallel>, #tpu.dimension_semantics<subcore_parallel>], iteration_bounds = array<i64: 2, 16>, scalar_prefetch = 0 : i64, scratch_operands = 5 : i64, tpu.core_type = #tpu.core_type<sc_vector_subcore>, window_params = [{transform_indices = #map}, {transform_indices = #map1}, {transform_indices = #map}]} {
    %mul3A = arith.constant 2 : i32
    %mul3A_0 = arith.muli %arg1, %mul3A : i32
    %add3A = arith.addi %mul3A_0, %arg0 : i32
    %mul3A_1 = arith.constant 12 : i32
    %mul3A_2 = arith.muli %add3A, %mul3A_1 : i32
    %mul3A_3 = arith.constant 2304 : i32
    %mul3A_4 = arith.muli %add3A, %mul3A_3 : i32
    "tpu.region"() ({
      %run_scoped3A = tpu.sem_alloc : memref<!tpu.dma_semaphore, #tpu.memory_space<semaphore_mem>>
      %dma_start3A_51 = tpu.memref_slice %arg3[%mul3A_4] : memref<73728xi32, #tpu.memory_space<hbm>> -> memref<2304xi32, #tpu.memory_space<hbm>>
      %dma_start3A_52 = tpu.memref_slice %arg3[%mul3A_4] : memref<73728xi32, #tpu.memory_space<hbm>> -> memref<2304xi32, #tpu.memory_space<hbm>>
      tpu.enqueue_dma source(%dma_start3A_52 : memref<2304xi32, #tpu.memory_space<hbm>>) target(%arg5 : memref<2304xi32, #tpu.memory_space<vmem>>) target_semaphore(%run_scoped3A : memref<!tpu.dma_semaphore, #tpu.memory_space<semaphore_mem>>)
      %dma_wait3A_53 = tpu.memref_slice %arg3[%mul3A_4] : memref<73728xi32, #tpu.memory_space<hbm>> -> memref<2304xi32, #tpu.memory_space<hbm>>
      %dma_wait3A_54 = tpu.memref_slice %arg3[%mul3A_4] : memref<73728xi32, #tpu.memory_space<hbm>> -> memref<2304xi32, #tpu.memory_space<hbm>>
      tpu.wait_dma2 semaphore(%run_scoped3A : memref<!tpu.dma_semaphore, #tpu.memory_space<semaphore_mem>>) src(%dma_wait3A_54 : memref<2304xi32, #tpu.memory_space<hbm>>) dst(%arg5 : memref<2304xi32, #tpu.memory_space<vmem>>)
      tpu.yield
    }) : () -> ()
    %add3A_5 = arith.constant 0 : i32
    %add3A_6 = arith.addi %mul3A_2, %add3A_5 : i32
    %dma_start3A = arith.constant 0 : i32
    %dma_start3A_7 = arith.constant 0 : i32
    %dma_start3A_8 = arith.constant 0 : i32
    %dma_start3A_9 = arith.constant 0 : i32
    %dma_start3A_10 = tpu.memref_slice %arg6[%dma_start3A_7, %dma_start3A_8, %dma_start3A_9] : memref<2x96x128xf32, #tpu.memory_space<vmem>> -> memref<1x96x128xf32, #tpu.memory_space<vmem>>
    %dma_start3A_11 = tpu.memref_squeeze %dma_start3A_10 : memref<1x96x128xf32, #tpu.memory_space<vmem>> -> memref<96x128xf32, #tpu.memory_space<vmem>>
    %dma_start3A_12 = arith.constant 0 : i32
    %dma_start3A_13 = arith.constant 0 : i32
    %dma_start3A_14 = tpu.memref_slice %arg2[%dma_start3A, %add3A_6, %dma_start3A_12, %dma_start3A_13] : memref<4x384x96x384xf32, #tpu.memory_space<hbm>> -> memref<1x1x96x128xf32, #tpu.memory_space<hbm>>
    %dma_start3A_15 = tpu.memref_squeeze %dma_start3A_14 : memref<1x1x96x128xf32, #tpu.memory_space<hbm>> -> memref<96x128xf32, #tpu.memory_space<hbm>>
    %dma_start3A_16 = arith.constant 0 : i32
    %dma_start3A_17 = arith.constant 0 : i32
    %dma_start3A_18 = tpu.memref_slice %arg6[%dma_start3A_7, %dma_start3A_16, %dma_start3A_17] : memref<2x96x128xf32, #tpu.memory_space<vmem>> -> memref<1x96x128xf32, #tpu.memory_space<vmem>>
    %dma_start3A_19 = tpu.memref_squeeze %dma_start3A_18 : memref<1x96x128xf32, #tpu.memory_space<vmem>> -> memref<96x128xf32, #tpu.memory_space<vmem>>
    %dma_start3A_20 = arith.constant 0 : i32
    %dma_start3A_21 = arith.constant 0 : i32
    %dma_start3A_22 = tpu.memref_slice %arg2[%dma_start3A, %add3A_6, %dma_start3A_20, %dma_start3A_21] : memref<4x384x96x384xf32, #tpu.memory_space<hbm>> -> memref<1x1x96x128xf32, #tpu.memory_space<hbm>>
    %dma_start3A_23 = tpu.memref_squeeze %dma_start3A_22 : memref<1x1x96x128xf32, #tpu.memory_space<hbm>> -> memref<96x128xf32, #tpu.memory_space<hbm>>
    tpu.enqueue_dma source(%dma_start3A_23 : memref<96x128xf32, #tpu.memory_space<hbm>>) target(%dma_start3A_19 : memref<96x128xf32, #tpu.memory_space<vmem>>) target_semaphore(%arg8 : memref<!tpu.dma_semaphore, #tpu.memory_space<semaphore_mem>>)
    %scan3A = arith.constant 0 : i32
    %scan3A_24 = arith.constant 0 : i32
    %scan3A_25 = arith.constant 0 : i32
    %scan3A_26 = arith.constant 0 : i32
    %scan3A_27 = arith.constant 144 : i32
    %scan3A_28 = arith.addi %scan3A_26, %scan3A_27 : i32
    %scan3A_29 = arith.constant 1 : i32
    %scan3A_30:3 = scf.for %scan3A_51 = %scan3A_26 to %scan3A_28 step %scan3A_29 iter_args(%scan3A_52 = %scan3A, %scan3A_53 = %scan3A_24, %scan3A_54 = %scan3A_25) -> (i32, i32, i32)  : i32 {
      %add3A_55 = arith.constant 1 : i32
      %add3A_56 = arith.addi %scan3A_54, %add3A_55 : i32
      %ge3A = arith.constant 3 : i32
      %ge3A_57 = arith.cmpi sge, %add3A_56, %ge3A : i32
      %add3A_58 = arith.constant 1 : i32
      %add3A_59 = arith.addi %scan3A_53, %add3A_58 : i32
      %select_n3A = arith.select %ge3A_57, %add3A_59, %scan3A_53 : i32
      %jit3A = arith.constant 0 : i32
      %select_n3A_60 = arith.select %ge3A_57, %jit3A, %add3A_56 : i32
      %ge3A_61 = arith.constant 12 : i32
      %ge3A_62 = arith.cmpi sge, %select_n3A, %ge3A_61 : i32
      %add3A_63 = arith.constant 1 : i32
      %add3A_64 = arith.addi %scan3A_52, %add3A_63 : i32
      %select_n3A_65 = arith.select %ge3A_62, %add3A_64, %scan3A_52 : i32
      %jit3A_66 = arith.constant 0 : i32
      %select_n3A_67 = arith.select %ge3A_62, %jit3A_66, %select_n3A : i32
      %rem3A_68 = arith.constant 2 : i32
      %rem3A_69 = arith.remsi %scan3A_51, %rem3A_68 : i32
      %add3A_70 = arith.constant 1 : i32
      %add3A_71 = arith.addi %scan3A_51, %add3A_70 : i32
      %rem3A_72 = arith.constant 2 : i32
      %rem3A_73 = arith.remsi %add3A_71, %rem3A_72 : i32
      %ge3A_74 = arith.constant 1 : i32
      %ge3A_75 = arith.cmpi sge, %scan3A_51, %ge3A_74 : i32
      %convert_element_type3A = arith.extui %ge3A_75 : i1 to i32
      %cond3A = arith.constant 0 : i32
      %cond3A_76 = arith.cmpi ne, %convert_element_type3A, %cond3A : i32
      scf.if %cond3A_76 {
        %dma_wait3A_144 = arith.constant 0 : i32
        %dma_wait3A_145 = arith.constant 0 : i32
        %dma_wait3A_146 = arith.constant 0 : i32
        %dma_wait3A_147 = arith.constant 0 : i32
        %dma_wait3A_148 = tpu.memref_slice %arg7[%rem3A_73, %dma_wait3A_146, %dma_wait3A_147] : memref<2x96x128xf32, #tpu.memory_space<vmem>> -> memref<1x96x128xf32, #tpu.memory_space<vmem>>
        %dma_wait3A_149 = tpu.memref_squeeze %dma_wait3A_148 : memref<1x96x128xf32, #tpu.memory_space<vmem>> -> memref<96x128xf32, #tpu.memory_space<vmem>>
        %dma_wait3A_150 = arith.constant 0 : i32
        %dma_wait3A_151 = arith.constant 0 : i32
        %dma_wait3A_152 = tpu.memref_slice %arg4[%dma_wait3A_144, %dma_wait3A_145, %dma_wait3A_150, %dma_wait3A_151] : memref<4x384x96x384xf32, #tpu.memory_space<hbm>> -> memref<1x1x96x128xf32, #tpu.memory_space<hbm>>
        %dma_wait3A_153 = tpu.memref_squeeze %dma_wait3A_152 : memref<1x1x96x128xf32, #tpu.memory_space<hbm>> -> memref<96x128xf32, #tpu.memory_space<hbm>>
        %dma_wait3A_154 = arith.constant 0 : i32
        %dma_wait3A_155 = arith.constant 0 : i32
        %dma_wait3A_156 = tpu.memref_slice %arg4[%dma_wait3A_144, %dma_wait3A_145, %dma_wait3A_154, %dma_wait3A_155] : memref<4x384x96x384xf32, #tpu.memory_space<hbm>> -> memref<1x1x96x128xf32, #tpu.memory_space<hbm>>
        %dma_wait3A_157 = tpu.memref_squeeze %dma_wait3A_156 : memref<1x1x96x128xf32, #tpu.memory_space<hbm>> -> memref<96x128xf32, #tpu.memory_space<hbm>>
        %dma_wait3A_158 = arith.constant 0 : i32
        %dma_wait3A_159 = arith.constant 0 : i32
        %dma_wait3A_160 = tpu.memref_slice %arg7[%rem3A_73, %dma_wait3A_158, %dma_wait3A_159] : memref<2x96x128xf32, #tpu.memory_space<vmem>> -> memref<1x96x128xf32, #tpu.memory_space<vmem>>
        %dma_wait3A_161 = tpu.memref_squeeze %dma_wait3A_160 : memref<1x96x128xf32, #tpu.memory_space<vmem>> -> memref<96x128xf32, #tpu.memory_space<vmem>>
        tpu.wait_dma2 semaphore(%arg9 : memref<!tpu.dma_semaphore, #tpu.memory_space<semaphore_mem>>) src(%dma_wait3A_161 : memref<96x128xf32, #tpu.memory_space<vmem>>) dst(%dma_wait3A_157 : memref<96x128xf32, #tpu.memory_space<hbm>>)
      } else {
      }
      %add3A_77 = arith.constant 1 : i32
      %add3A_78 = arith.addi %scan3A_51, %add3A_77 : i32
      %lt3A = arith.constant 144 : i32
      %lt3A_79 = arith.cmpi slt, %add3A_78, %lt3A : i32
      %convert_element_type3A_80 = arith.extui %lt3A_79 : i1 to i32
      %cond3A_81 = arith.constant 0 : i32
      %cond3A_82 = arith.cmpi ne, %convert_element_type3A_80, %cond3A_81 : i32
      scf.if %cond3A_82 {
        %add3A_144 = arith.addi %mul3A_2, %select_n3A_67 : i32
        %mul3A_145 = arith.constant 128 : i32
        %mul3A_146 = arith.muli %select_n3A_60, %mul3A_145 : i32
        %dma_start3A_147 = arith.constant 0 : i32
        %dma_start3A_148 = arith.constant 0 : i32
        %dma_start3A_149 = tpu.memref_slice %arg6[%rem3A_73, %dma_start3A_147, %dma_start3A_148] : memref<2x96x128xf32, #tpu.memory_space<vmem>> -> memref<1x96x128xf32, #tpu.memory_space<vmem>>
        %dma_start3A_150 = tpu.memref_squeeze %dma_start3A_149 : memref<1x96x128xf32, #tpu.memory_space<vmem>> -> memref<96x128xf32, #tpu.memory_space<vmem>>
        %dma_start3A_151 = arith.constant 0 : i32
        %dma_start3A_152 = tpu.memref_slice %arg2[%select_n3A_65, %add3A_144, %dma_start3A_151, %mul3A_146] : memref<4x384x96x384xf32, #tpu.memory_space<hbm>> -> memref<1x1x96x128xf32, #tpu.memory_space<hbm>>
        %dma_start3A_153 = tpu.memref_squeeze %dma_start3A_152 : memref<1x1x96x128xf32, #tpu.memory_space<hbm>> -> memref<96x128xf32, #tpu.memory_space<hbm>>
        %dma_start3A_154 = arith.constant 0 : i32
        %dma_start3A_155 = arith.constant 0 : i32
        %dma_start3A_156 = tpu.memref_slice %arg6[%rem3A_73, %dma_start3A_154, %dma_start3A_155] : memref<2x96x128xf32, #tpu.memory_space<vmem>> -> memref<1x96x128xf32, #tpu.memory_space<vmem>>
        %dma_start3A_157 = tpu.memref_squeeze %dma_start3A_156 : memref<1x96x128xf32, #tpu.memory_space<vmem>> -> memref<96x128xf32, #tpu.memory_space<vmem>>
        %dma_start3A_158 = arith.constant 0 : i32
        %dma_start3A_159 = tpu.memref_slice %arg2[%select_n3A_65, %add3A_144, %dma_start3A_158, %mul3A_146] : memref<4x384x96x384xf32, #tpu.memory_space<hbm>> -> memref<1x1x96x128xf32, #tpu.memory_space<hbm>>
        %dma_start3A_160 = tpu.memref_squeeze %dma_start3A_159 : memref<1x1x96x128xf32, #tpu.memory_space<hbm>> -> memref<96x128xf32, #tpu.memory_space<hbm>>
        tpu.enqueue_dma source(%dma_start3A_160 : memref<96x128xf32, #tpu.memory_space<hbm>>) target(%dma_start3A_157 : memref<96x128xf32, #tpu.memory_space<vmem>>) target_semaphore(%arg8 : memref<!tpu.dma_semaphore, #tpu.memory_space<semaphore_mem>>)
      } else {
      }
      %dma_wait3A_83 = arith.constant 0 : i32
      %dma_wait3A_84 = arith.constant 0 : i32
      %dma_wait3A_85 = arith.constant 0 : i32
      %dma_wait3A_86 = arith.constant 0 : i32
      %dma_wait3A_87 = tpu.memref_slice %arg6[%rem3A_69, %dma_wait3A_85, %dma_wait3A_86] : memref<2x96x128xf32, #tpu.memory_space<vmem>> -> memref<1x96x128xf32, #tpu.memory_space<vmem>>
      %dma_wait3A_88 = tpu.memref_squeeze %dma_wait3A_87 : memref<1x96x128xf32, #tpu.memory_space<vmem>> -> memref<96x128xf32, #tpu.memory_space<vmem>>
      %dma_wait3A_89 = arith.constant 0 : i32
      %dma_wait3A_90 = arith.constant 0 : i32
      %dma_wait3A_91 = tpu.memref_slice %arg2[%dma_wait3A_83, %dma_wait3A_84, %dma_wait3A_89, %dma_wait3A_90] : memref<4x384x96x384xf32, #tpu.memory_space<hbm>> -> memref<1x1x96x128xf32, #tpu.memory_space<hbm>>
      %dma_wait3A_92 = tpu.memref_squeeze %dma_wait3A_91 : memref<1x1x96x128xf32, #tpu.memory_space<hbm>> -> memref<96x128xf32, #tpu.memory_space<hbm>>
      %dma_wait3A_93 = arith.constant 0 : i32
      %dma_wait3A_94 = arith.constant 0 : i32
      %dma_wait3A_95 = tpu.memref_slice %arg6[%rem3A_69, %dma_wait3A_93, %dma_wait3A_94] : memref<2x96x128xf32, #tpu.memory_space<vmem>> -> memref<1x96x128xf32, #tpu.memory_space<vmem>>
      %dma_wait3A_96 = tpu.memref_squeeze %dma_wait3A_95 : memref<1x96x128xf32, #tpu.memory_space<vmem>> -> memref<96x128xf32, #tpu.memory_space<vmem>>
      %dma_wait3A_97 = arith.constant 0 : i32
      %dma_wait3A_98 = arith.constant 0 : i32
      %dma_wait3A_99 = tpu.memref_slice %arg2[%dma_wait3A_83, %dma_wait3A_84, %dma_wait3A_97, %dma_wait3A_98] : memref<4x384x96x384xf32, #tpu.memory_space<hbm>> -> memref<1x1x96x128xf32, #tpu.memory_space<hbm>>
      %dma_wait3A_100 = tpu.memref_squeeze %dma_wait3A_99 : memref<1x1x96x128xf32, #tpu.memory_space<hbm>> -> memref<96x128xf32, #tpu.memory_space<hbm>>
      tpu.wait_dma2 semaphore(%arg8 : memref<!tpu.dma_semaphore, #tpu.memory_space<semaphore_mem>>) src(%dma_wait3A_100 : memref<96x128xf32, #tpu.memory_space<hbm>>) dst(%dma_wait3A_96 : memref<96x128xf32, #tpu.memory_space<vmem>>)
      %mul3A_101 = arith.constant 12 : i32
      %mul3A_102 = arith.muli %scan3A_52, %mul3A_101 : i32
      %add3A_103 = arith.addi %mul3A_102, %scan3A_53 : i32
      %mul3A_104 = arith.constant 3 : i32
      %mul3A_105 = arith.muli %add3A_103, %mul3A_104 : i32
      %add3A_106 = arith.addi %mul3A_105, %scan3A_54 : i32
      %mul3A_107 = arith.constant 16 : i32
      %mul3A_108 = arith.muli %add3A_106, %mul3A_107 : i32
      %get3A = arith.index_cast %mul3A_108 : i32 to index
      %get3A_109 = tpu.vector_load %arg5[%get3A] {strides = array<i32>} : memref<2304xi32, #tpu.memory_space<vmem>>, vector<16xi32>,
      %get3A_110 = vector.shape_cast %get3A_109 : vector<16xi32> to vector<16xi32>
      %slice3A = vector.extract_strided_slice %get3A_110 {offsets = [0], sizes = [1], strides = [1]} : vector<16xi32> to vector<1xi32>
      %squeeze3A = vector.extract %slice3A[0] : i32 from vector<1xi32>
      %slice3A_111 = vector.extract_strided_slice %get3A_110 {offsets = [1], sizes = [1], strides = [1]} : vector<16xi32> to vector<1xi32>
      %squeeze3A_112 = vector.extract %slice3A_111[0] : i32 from vector<1xi32>
      %slice3A_113 = vector.extract_strided_slice %get3A_110 {offsets = [2], sizes = [1], strides = [1]} : vector<16xi32> to vector<1xi32>
      %squeeze3A_114 = vector.extract %slice3A_113[0] : i32 from vector<1xi32>
      %slice3A_115 = vector.extract_strided_slice %get3A_110 {offsets = [3], sizes = [1], strides = [1]} : vector<16xi32> to vector<1xi32>
      %squeeze3A_116 = vector.extract %slice3A_115[0] : i32 from vector<1xi32>
      %slice3A_117 = vector.extract_strided_slice %get3A_110 {offsets = [4], sizes = [1], strides = [1]} : vector<16xi32> to vector<1xi32>
      %squeeze3A_118 = vector.extract %slice3A_117[0] : i32 from vector<1xi32>
      %slice3A_119 = vector.extract_strided_slice %get3A_110 {offsets = [5], sizes = [1], strides = [1]} : vector<16xi32> to vector<1xi32>
      %squeeze3A_120 = vector.extract %slice3A_119[0] : i32 from vector<1xi32>
      %slice3A_121 = vector.extract_strided_slice %get3A_110 {offsets = [6], sizes = [1], strides = [1]} : vector<16xi32> to vector<1xi32>
      %squeeze3A_122 = vector.extract %slice3A_121[0] : i32 from vector<1xi32>
      %slice3A_123 = vector.extract_strided_slice %get3A_110 {offsets = [7], sizes = [1], strides = [1]} : vector<16xi32> to vector<1xi32>
      %squeeze3A_124 = vector.extract %slice3A_123[0] : i32 from vector<1xi32>
      %parallel_loop3A = arith.constant 0 : i32
      %parallel_loop3A_125 = arith.constant 96 : i32
      %parallel_loop3A_126 = arith.constant 1 : i32
      scf.for %parallel_loop3A_144 = %parallel_loop3A to %parallel_loop3A_125 step %parallel_loop3A_126  : i32 {
        %parallel_loop3A_145 = arith.addi %parallel_loop3A_144, %squeeze3A : i32
        %parallel_loop3A_146 = arith.constant 96 : i32
        %parallel_loop3A_147 = arith.cmpi sge, %parallel_loop3A_145, %parallel_loop3A_146 : i32
        %parallel_loop3A_148 = arith.constant 96 : i32
        %parallel_loop3A_149 = arith.subi %parallel_loop3A_145, %parallel_loop3A_148 : i32
        %parallel_loop3A_150 = arith.select %parallel_loop3A_147, %parallel_loop3A_149, %parallel_loop3A_145 : i32
        %parallel_loop3A_151 = arith.index_cast %rem3A_69 : i32 to index
        %parallel_loop3A_152 = arith.index_cast %parallel_loop3A_150 : i32 to index
        %parallel_loop3A_153 = arith.constant 0 : index
        %parallel_loop3A_154 = tpu.vector_load %arg6[%parallel_loop3A_151, %parallel_loop3A_152, %parallel_loop3A_153] {strides = array<i32>} : memref<2x96x128xf32, #tpu.memory_space<vmem>>, vector<1x1x16xf32>,
        %parallel_loop3A_155 = vector.shape_cast %parallel_loop3A_154 : vector<1x1x16xf32> to vector<16xf32>
        %parallel_loop3A_156 = arith.index_cast %rem3A_69 : i32 to index
        %parallel_loop3A_157 = arith.index_cast %parallel_loop3A_144 : i32 to index
        %parallel_loop3A_158 = arith.constant 0 : index
        %parallel_loop3A_159 = tpu.vector_load %arg7[%parallel_loop3A_156, %parallel_loop3A_157, %parallel_loop3A_158] {strides = array<i32>} : memref<2x96x128xf32, #tpu.memory_space<vmem>>, vector<1x1x16xf32>,
        %parallel_loop3A_160 = vector.shape_cast %parallel_loop3A_159 : vector<1x1x16xf32> to vector<16xf32>
        %parallel_loop3A_161 = vector.shape_cast %parallel_loop3A_155 : vector<16xf32> to vector<1x1x16xf32>
        tpu.vector_store %arg7[%parallel_loop3A_156, %parallel_loop3A_157, %parallel_loop3A_158], %parallel_loop3A_161 {strides = array<i32>} : memref<2x96x128xf32, #tpu.memory_space<vmem>>, vector<1x1x16xf32>,
        %parallel_loop3A_162 = arith.addi %parallel_loop3A_144, %squeeze3A_112 : i32
        %parallel_loop3A_163 = arith.constant 96 : i32
        %parallel_loop3A_164 = arith.cmpi sge, %parallel_loop3A_162, %parallel_loop3A_163 : i32
        %parallel_loop3A_165 = arith.constant 96 : i32
        %parallel_loop3A_166 = arith.subi %parallel_loop3A_162, %parallel_loop3A_165 : i32
        %parallel_loop3A_167 = arith.select %parallel_loop3A_164, %parallel_loop3A_166, %parallel_loop3A_162 : i32
        %parallel_loop3A_168 = arith.index_cast %rem3A_69 : i32 to index
        %parallel_loop3A_169 = arith.index_cast %parallel_loop3A_167 : i32 to index
        %parallel_loop3A_170 = arith.constant 16 : index
        %parallel_loop3A_171 = tpu.vector_load %arg6[%parallel_loop3A_168, %parallel_loop3A_169, %parallel_loop3A_170] {strides = array<i32>} : memref<2x96x128xf32, #tpu.memory_space<vmem>>, vector<1x1x16xf32>,
        %parallel_loop3A_172 = vector.shape_cast %parallel_loop3A_171 : vector<1x1x16xf32> to vector<16xf32>
        %parallel_loop3A_173 = arith.index_cast %rem3A_69 : i32 to index
        %parallel_loop3A_174 = arith.index_cast %parallel_loop3A_144 : i32 to index
        %parallel_loop3A_175 = arith.constant 16 : index
        %parallel_loop3A_176 = tpu.vector_load %arg7[%parallel_loop3A_173, %parallel_loop3A_174, %parallel_loop3A_175] {strides = array<i32>} : memref<2x96x128xf32, #tpu.memory_space<vmem>>, vector<1x1x16xf32>,
        %parallel_loop3A_177 = vector.shape_cast %parallel_loop3A_176 : vector<1x1x16xf32> to vector<16xf32>
        %parallel_loop3A_178 = vector.shape_cast %parallel_loop3A_172 : vector<16xf32> to vector<1x1x16xf32>
        tpu.vector_store %arg7[%parallel_loop3A_173, %parallel_loop3A_174, %parallel_loop3A_175], %parallel_loop3A_178 {strides = array<i32>} : memref<2x96x128xf32, #tpu.memory_space<vmem>>, vector<1x1x16xf32>,
        %parallel_loop3A_179 = arith.addi %parallel_loop3A_144, %squeeze3A_114 : i32
        %parallel_loop3A_180 = arith.constant 96 : i32
        %parallel_loop3A_181 = arith.cmpi sge, %parallel_loop3A_179, %parallel_loop3A_180 : i32
        %parallel_loop3A_182 = arith.constant 96 : i32
        %parallel_loop3A_183 = arith.subi %parallel_loop3A_179, %parallel_loop3A_182 : i32
        %parallel_loop3A_184 = arith.select %parallel_loop3A_181, %parallel_loop3A_183, %parallel_loop3A_179 : i32
        %parallel_loop3A_185 = arith.index_cast %rem3A_69 : i32 to index
        %parallel_loop3A_186 = arith.index_cast %parallel_loop3A_184 : i32 to index
        %parallel_loop3A_187 = arith.constant 32 : index
        %parallel_loop3A_188 = tpu.vector_load %arg6[%parallel_loop3A_185, %parallel_loop3A_186, %parallel_loop3A_187] {strides = array<i32>} : memref<2x96x128xf32, #tpu.memory_space<vmem>>, vector<1x1x16xf32>,
        %parallel_loop3A_189 = vector.shape_cast %parallel_loop3A_188 : vector<1x1x16xf32> to vector<16xf32>
        %parallel_loop3A_190 = arith.index_cast %rem3A_69 : i32 to index
        %parallel_loop3A_191 = arith.index_cast %parallel_loop3A_144 : i32 to index
        %parallel_loop3A_192 = arith.constant 32 : index
        %parallel_loop3A_193 = tpu.vector_load %arg7[%parallel_loop3A_190, %parallel_loop3A_191, %parallel_loop3A_192] {strides = array<i32>} : memref<2x96x128xf32, #tpu.memory_space<vmem>>, vector<1x1x16xf32>,
        %parallel_loop3A_194 = vector.shape_cast %parallel_loop3A_193 : vector<1x1x16xf32> to vector<16xf32>
        %parallel_loop3A_195 = vector.shape_cast %parallel_loop3A_189 : vector<16xf32> to vector<1x1x16xf32>
        tpu.vector_store %arg7[%parallel_loop3A_190, %parallel_loop3A_191, %parallel_loop3A_192], %parallel_loop3A_195 {strides = array<i32>} : memref<2x96x128xf32, #tpu.memory_space<vmem>>, vector<1x1x16xf32>,
        %parallel_loop3A_196 = arith.addi %parallel_loop3A_144, %squeeze3A_116 : i32
        %parallel_loop3A_197 = arith.constant 96 : i32
        %parallel_loop3A_198 = arith.cmpi sge, %parallel_loop3A_196, %parallel_loop3A_197 : i32
        %parallel_loop3A_199 = arith.constant 96 : i32
        %parallel_loop3A_200 = arith.subi %parallel_loop3A_196, %parallel_loop3A_199 : i32
        %parallel_loop3A_201 = arith.select %parallel_loop3A_198, %parallel_loop3A_200, %parallel_loop3A_196 : i32
        %parallel_loop3A_202 = arith.index_cast %rem3A_69 : i32 to index
        %parallel_loop3A_203 = arith.index_cast %parallel_loop3A_201 : i32 to index
        %parallel_loop3A_204 = arith.constant 48 : index
        %parallel_loop3A_205 = tpu.vector_load %arg6[%parallel_loop3A_202, %parallel_loop3A_203, %parallel_loop3A_204] {strides = array<i32>} : memref<2x96x128xf32, #tpu.memory_space<vmem>>, vector<1x1x16xf32>,
        %parallel_loop3A_206 = vector.shape_cast %parallel_loop3A_205 : vector<1x1x16xf32> to vector<16xf32>
        %parallel_loop3A_207 = arith.index_cast %rem3A_69 : i32 to index
        %parallel_loop3A_208 = arith.index_cast %parallel_loop3A_144 : i32 to index
        %parallel_loop3A_209 = arith.constant 48 : index
        %parallel_loop3A_210 = tpu.vector_load %arg7[%parallel_loop3A_207, %parallel_loop3A_208, %parallel_loop3A_209] {strides = array<i32>} : memref<2x96x128xf32, #tpu.memory_space<vmem>>, vector<1x1x16xf32>,
        %parallel_loop3A_211 = vector.shape_cast %parallel_loop3A_210 : vector<1x1x16xf32> to vector<16xf32>
        %parallel_loop3A_212 = vector.shape_cast %parallel_loop3A_206 : vector<16xf32> to vector<1x1x16xf32>
        tpu.vector_store %arg7[%parallel_loop3A_207, %parallel_loop3A_208, %parallel_loop3A_209], %parallel_loop3A_212 {strides = array<i32>} : memref<2x96x128xf32, #tpu.memory_space<vmem>>, vector<1x1x16xf32>,
        %parallel_loop3A_213 = arith.addi %parallel_loop3A_144, %squeeze3A_118 : i32
        %parallel_loop3A_214 = arith.constant 96 : i32
        %parallel_loop3A_215 = arith.cmpi sge, %parallel_loop3A_213, %parallel_loop3A_214 : i32
        %parallel_loop3A_216 = arith.constant 96 : i32
        %parallel_loop3A_217 = arith.subi %parallel_loop3A_213, %parallel_loop3A_216 : i32
        %parallel_loop3A_218 = arith.select %parallel_loop3A_215, %parallel_loop3A_217, %parallel_loop3A_213 : i32
        %parallel_loop3A_219 = arith.index_cast %rem3A_69 : i32 to index
        %parallel_loop3A_220 = arith.index_cast %parallel_loop3A_218 : i32 to index
        %parallel_loop3A_221 = arith.constant 64 : index
        %parallel_loop3A_222 = tpu.vector_load %arg6[%parallel_loop3A_219, %parallel_loop3A_220, %parallel_loop3A_221] {strides = array<i32>} : memref<2x96x128xf32, #tpu.memory_space<vmem>>, vector<1x1x16xf32>,
        %parallel_loop3A_223 = vector.shape_cast %parallel_loop3A_222 : vector<1x1x16xf32> to vector<16xf32>
        %parallel_loop3A_224 = arith.index_cast %rem3A_69 : i32 to index
        %parallel_loop3A_225 = arith.index_cast %parallel_loop3A_144 : i32 to index
        %parallel_loop3A_226 = arith.constant 64 : index
        %parallel_loop3A_227 = tpu.vector_load %arg7[%parallel_loop3A_224, %parallel_loop3A_225, %parallel_loop3A_226] {strides = array<i32>} : memref<2x96x128xf32, #tpu.memory_space<vmem>>, vector<1x1x16xf32>,
        %parallel_loop3A_228 = vector.shape_cast %parallel_loop3A_227 : vector<1x1x16xf32> to vector<16xf32>
        %parallel_loop3A_229 = vector.shape_cast %parallel_loop3A_223 : vector<16xf32> to vector<1x1x16xf32>
        tpu.vector_store %arg7[%parallel_loop3A_224, %parallel_loop3A_225, %parallel_loop3A_226], %parallel_loop3A_229 {strides = array<i32>} : memref<2x96x128xf32, #tpu.memory_space<vmem>>, vector<1x1x16xf32>,
        %parallel_loop3A_230 = arith.addi %parallel_loop3A_144, %squeeze3A_120 : i32
        %parallel_loop3A_231 = arith.constant 96 : i32
        %parallel_loop3A_232 = arith.cmpi sge, %parallel_loop3A_230, %parallel_loop3A_231 : i32
        %parallel_loop3A_233 = arith.constant 96 : i32
        %parallel_loop3A_234 = arith.subi %parallel_loop3A_230, %parallel_loop3A_233 : i32
        %parallel_loop3A_235 = arith.select %parallel_loop3A_232, %parallel_loop3A_234, %parallel_loop3A_230 : i32
        %parallel_loop3A_236 = arith.index_cast %rem3A_69 : i32 to index
        %parallel_loop3A_237 = arith.index_cast %parallel_loop3A_235 : i32 to index
        %parallel_loop3A_238 = arith.constant 80 : index
        %parallel_loop3A_239 = tpu.vector_load %arg6[%parallel_loop3A_236, %parallel_loop3A_237, %parallel_loop3A_238] {strides = array<i32>} : memref<2x96x128xf32, #tpu.memory_space<vmem>>, vector<1x1x16xf32>,
        %parallel_loop3A_240 = vector.shape_cast %parallel_loop3A_239 : vector<1x1x16xf32> to vector<16xf32>
        %parallel_loop3A_241 = arith.index_cast %rem3A_69 : i32 to index
        %parallel_loop3A_242 = arith.index_cast %parallel_loop3A_144 : i32 to index
        %parallel_loop3A_243 = arith.constant 80 : index
        %parallel_loop3A_244 = tpu.vector_load %arg7[%parallel_loop3A_241, %parallel_loop3A_242, %parallel_loop3A_243] {strides = array<i32>} : memref<2x96x128xf32, #tpu.memory_space<vmem>>, vector<1x1x16xf32>,
        %parallel_loop3A_245 = vector.shape_cast %parallel_loop3A_244 : vector<1x1x16xf32> to vector<16xf32>
        %parallel_loop3A_246 = vector.shape_cast %parallel_loop3A_240 : vector<16xf32> to vector<1x1x16xf32>
        tpu.vector_store %arg7[%parallel_loop3A_241, %parallel_loop3A_242, %parallel_loop3A_243], %parallel_loop3A_246 {strides = array<i32>} : memref<2x96x128xf32, #tpu.memory_space<vmem>>, vector<1x1x16xf32>,
        %parallel_loop3A_247 = arith.addi %parallel_loop3A_144, %squeeze3A_122 : i32
        %parallel_loop3A_248 = arith.constant 96 : i32
        %parallel_loop3A_249 = arith.cmpi sge, %parallel_loop3A_247, %parallel_loop3A_248 : i32
        %parallel_loop3A_250 = arith.constant 96 : i32
        %parallel_loop3A_251 = arith.subi %parallel_loop3A_247, %parallel_loop3A_250 : i32
        %parallel_loop3A_252 = arith.select %parallel_loop3A_249, %parallel_loop3A_251, %parallel_loop3A_247 : i32
        %parallel_loop3A_253 = arith.index_cast %rem3A_69 : i32 to index
        %parallel_loop3A_254 = arith.index_cast %parallel_loop3A_252 : i32 to index
        %parallel_loop3A_255 = arith.constant 96 : index
        %parallel_loop3A_256 = tpu.vector_load %arg6[%parallel_loop3A_253, %parallel_loop3A_254, %parallel_loop3A_255] {strides = array<i32>} : memref<2x96x128xf32, #tpu.memory_space<vmem>>, vector<1x1x16xf32>,
        %parallel_loop3A_257 = vector.shape_cast %parallel_loop3A_256 : vector<1x1x16xf32> to vector<16xf32>
        %parallel_loop3A_258 = arith.index_cast %rem3A_69 : i32 to index
        %parallel_loop3A_259 = arith.index_cast %parallel_loop3A_144 : i32 to index
        %parallel_loop3A_260 = arith.constant 96 : index
        %parallel_loop3A_261 = tpu.vector_load %arg7[%parallel_loop3A_258, %parallel_loop3A_259, %parallel_loop3A_260] {strides = array<i32>} : memref<2x96x128xf32, #tpu.memory_space<vmem>>, vector<1x1x16xf32>,
        %parallel_loop3A_262 = vector.shape_cast %parallel_loop3A_261 : vector<1x1x16xf32> to vector<16xf32>
        %parallel_loop3A_263 = vector.shape_cast %parallel_loop3A_257 : vector<16xf32> to vector<1x1x16xf32>
        tpu.vector_store %arg7[%parallel_loop3A_258, %parallel_loop3A_259, %parallel_loop3A_260], %parallel_loop3A_263 {strides = array<i32>} : memref<2x96x128xf32, #tpu.memory_space<vmem>>, vector<1x1x16xf32>,
        %parallel_loop3A_264 = arith.addi %parallel_loop3A_144, %squeeze3A_124 : i32
        %parallel_loop3A_265 = arith.constant 96 : i32
        %parallel_loop3A_266 = arith.cmpi sge, %parallel_loop3A_264, %parallel_loop3A_265 : i32
        %parallel_loop3A_267 = arith.constant 96 : i32
        %parallel_loop3A_268 = arith.subi %parallel_loop3A_264, %parallel_loop3A_267 : i32
        %parallel_loop3A_269 = arith.select %parallel_loop3A_266, %parallel_loop3A_268, %parallel_loop3A_264 : i32
        %parallel_loop3A_270 = arith.index_cast %rem3A_69 : i32 to index
        %parallel_loop3A_271 = arith.index_cast %parallel_loop3A_269 : i32 to index
        %parallel_loop3A_272 = arith.constant 112 : index
        %parallel_loop3A_273 = tpu.vector_load %arg6[%parallel_loop3A_270, %parallel_loop3A_271, %parallel_loop3A_272] {strides = array<i32>} : memref<2x96x128xf32, #tpu.memory_space<vmem>>, vector<1x1x16xf32>,
        %parallel_loop3A_274 = vector.shape_cast %parallel_loop3A_273 : vector<1x1x16xf32> to vector<16xf32>
        %parallel_loop3A_275 = arith.index_cast %rem3A_69 : i32 to index
        %parallel_loop3A_276 = arith.index_cast %parallel_loop3A_144 : i32 to index
        %parallel_loop3A_277 = arith.constant 112 : index
        %parallel_loop3A_278 = tpu.vector_load %arg7[%parallel_loop3A_275, %parallel_loop3A_276, %parallel_loop3A_277] {strides = array<i32>} : memref<2x96x128xf32, #tpu.memory_space<vmem>>, vector<1x1x16xf32>,
        %parallel_loop3A_279 = vector.shape_cast %parallel_loop3A_278 : vector<1x1x16xf32> to vector<16xf32>
        %parallel_loop3A_280 = vector.shape_cast %parallel_loop3A_274 : vector<16xf32> to vector<1x1x16xf32>
        tpu.vector_store %arg7[%parallel_loop3A_275, %parallel_loop3A_276, %parallel_loop3A_277], %parallel_loop3A_280 {strides = array<i32>} : memref<2x96x128xf32, #tpu.memory_space<vmem>>, vector<1x1x16xf32>,
      } {sc.loop_unroll_factor = 8 : i64, sc.parallel_access}
      %add3A_127 = arith.addi %mul3A_2, %scan3A_53 : i32
      %mul3A_128 = arith.constant 128 : i32
      %mul3A_129 = arith.muli %scan3A_54, %mul3A_128 : i32
      %dma_start3A_130 = arith.constant 0 : i32
      %dma_start3A_131 = arith.constant 0 : i32
      %dma_start3A_132 = tpu.memref_slice %arg7[%rem3A_69, %dma_start3A_130, %dma_start3A_131] : memref<2x96x128xf32, #tpu.memory_space<vmem>> -> memref<1x96x128xf32, #tpu.memory_space<vmem>>
      %dma_start3A_133 = tpu.memref_squeeze %dma_start3A_132 : memref<1x96x128xf32, #tpu.memory_space<vmem>> -> memref<96x128xf32, #tpu.memory_space<vmem>>
      %dma_start3A_134 = arith.constant 0 : i32
      %dma_start3A_135 = tpu.memref_slice %arg4[%scan3A_52, %add3A_127, %dma_start3A_134, %mul3A_129] : memref<4x384x96x384xf32, #tpu.memory_space<hbm>> -> memref<1x1x96x128xf32, #tpu.memory_space<hbm>>
      %dma_start3A_136 = tpu.memref_squeeze %dma_start3A_135 : memref<1x1x96x128xf32, #tpu.memory_space<hbm>> -> memref<96x128xf32, #tpu.memory_space<hbm>>
      %dma_start3A_137 = arith.constant 0 : i32
      %dma_start3A_138 = tpu.memref_slice %arg4[%scan3A_52, %add3A_127, %dma_start3A_137, %mul3A_129] : memref<4x384x96x384xf32, #tpu.memory_space<hbm>> -> memref<1x1x96x128xf32, #tpu.memory_space<hbm>>
      %dma_start3A_139 = tpu.memref_squeeze %dma_start3A_138 : memref<1x1x96x128xf32, #tpu.memory_space<hbm>> -> memref<96x128xf32, #tpu.memory_space<hbm>>
      %dma_start3A_140 = arith.constant 0 : i32
      %dma_start3A_141 = arith.constant 0 : i32
      %dma_start3A_142 = tpu.memref_slice %arg7[%rem3A_69, %dma_start3A_140, %dma_start3A_141] : memref<2x96x128xf32, #tpu.memory_space<vmem>> -> memref<1x96x128xf32, #tpu.memory_space<vmem>>
      %dma_start3A_143 = tpu.memref_squeeze %dma_start3A_142 : memref<1x96x128xf32, #tpu.memory_space<vmem>> -> memref<96x128xf32, #tpu.memory_space<vmem>>
      tpu.enqueue_dma source(%dma_start3A_143 : memref<96x128xf32, #tpu.memory_space<vmem>>) target(%dma_start3A_139 : memref<96x128xf32, #tpu.memory_space<hbm>>) target_semaphore(%arg9 : memref<!tpu.dma_semaphore, #tpu.memory_space<semaphore_mem>>)
      scf.yield %select_n3A_65, %select_n3A_67, %select_n3A_60 : i32, i32, i32
    }
    %scan3A_31 = arith.constant 144 : i32
    %rem3A = arith.constant 143 : i32
    %rem3A_32 = arith.constant 2 : i32
    %rem3A_33 = arith.remsi %rem3A, %rem3A_32 : i32
    %dma_wait3A = arith.constant 0 : i32
    %dma_wait3A_34 = arith.constant 0 : i32
    %dma_wait3A_35 = arith.constant 0 : i32
    %dma_wait3A_36 = arith.constant 0 : i32
    %dma_wait3A_37 = tpu.memref_slice %arg7[%rem3A_33, %dma_wait3A_35, %dma_wait3A_36] : memref<2x96x128xf32, #tpu.memory_space<vmem>> -> memref<1x96x128xf32, #tpu.memory_space<vmem>>
    %dma_wait3A_38 = tpu.memref_squeeze %dma_wait3A_37 : memref<1x96x128xf32, #tpu.memory_space<vmem>> -> memref<96x128xf32, #tpu.memory_space<vmem>>
    %dma_wait3A_39 = arith.constant 0 : i32
    %dma_wait3A_40 = arith.constant 0 : i32
    %dma_wait3A_41 = tpu.memref_slice %arg4[%dma_wait3A, %dma_wait3A_34, %dma_wait3A_39, %dma_wait3A_40] : memref<4x384x96x384xf32, #tpu.memory_space<hbm>> -> memref<1x1x96x128xf32, #tpu.memory_space<hbm>>
    %dma_wait3A_42 = tpu.memref_squeeze %dma_wait3A_41 : memref<1x1x96x128xf32, #tpu.memory_space<hbm>> -> memref<96x128xf32, #tpu.memory_space<hbm>>
    %dma_wait3A_43 = arith.constant 0 : i32
    %dma_wait3A_44 = arith.constant 0 : i32
    %dma_wait3A_45 = tpu.memref_slice %arg4[%dma_wait3A, %dma_wait3A_34, %dma_wait3A_43, %dma_wait3A_44] : memref<4x384x96x384xf32, #tpu.memory_space<hbm>> -> memref<1x1x96x128xf32, #tpu.memory_space<hbm>>
    %dma_wait3A_46 = tpu.memref_squeeze %dma_wait3A_45 : memref<1x1x96x128xf32, #tpu.memory_space<hbm>> -> memref<96x128xf32, #tpu.memory_space<hbm>>
    %dma_wait3A_47 = arith.constant 0 : i32
    %dma_wait3A_48 = arith.constant 0 : i32
    %dma_wait3A_49 = tpu.memref_slice %arg7[%rem3A_33, %dma_wait3A_47, %dma_wait3A_48] : memref<2x96x128xf32, #tpu.memory_space<vmem>> -> memref<1x96x128xf32, #tpu.memory_space<vmem>>
    %dma_wait3A_50 = tpu.memref_squeeze %dma_wait3A_49 : memref<1x96x128xf32, #tpu.memory_space<vmem>> -> memref<96x128xf32, #tpu.memory_space<vmem>>
    tpu.wait_dma2 semaphore(%arg9 : memref<!tpu.dma_semaphore, #tpu.memory_space<semaphore_mem>>) src(%dma_wait3A_50 : memref<96x128xf32, #tpu.memory_space<vmem>>) dst(%dma_wait3A_46 : memref<96x128xf32, #tpu.memory_space<hbm>>)
    return
  }
}

</mosaic_0001>

<sc_bundles>
// kernel: kernel.3.cloned.1.call-start
scs
__scs_entry_jumppad:
0x0: {  	(pc) =	sbr.rel $0x88, $3  }
0x1: {  	(tag) =	ssettag $0x0;
	lr =	simm.s32 $0x1  }
0x2: {  	[smem:$0x3FA0] =	sst lr;
	_ =	strace $0xD0000000  }
0x3: {  	_ = 	snop  }
0x4: {  	_ = 	snop  }
0x5: {  	_ = 	snop  }
0x6: {  	_ = 	snop  }
0x7: {  	_ = 	snop  }
__scs_overlays_trampoline_lowered:
0x8: {  	[smem:$0x3FAF] =	sst s0  }
0x9: {  	[smem:$0x3FB0] =	sst s1  }
0xa: {  	[smem:$0x3FB1] =	sst s2  }
0xb: {  	[smem:$0x3FB2] =	sst s3  }
0xc: {  	[smem:$0x3FB3] =	sst s4  }
0xd: {  	[smem:$0x3FB4] =	sst s5  }
0xe: {  	[smem:$0x3FB5] =	sst s6  }
0xf: {  	[smem:$0x3FB6] =	sst s7  }
0x10: {  	[smem:$0x3FB7] =	sst s8  }
0x11: {  	[smem:$0x3FB8] =	sst s9;
	s0 =	simm.s32 @!p0 $0x0  }
0x12: {  	s1 =	sld [smem:$0x3F9E];
	s0 =	simm.s32 @p0 $0x1  }
0x13: {  	[smem:$0x3FB9] =	sst s0;
	s0 =	simm.s32 @!p1 $0x0  }
0x14: {  	s2 =	sld [smem:$0x3F9D];
	s0 =	simm.s32 @p1 $0x1  }
0x15: {  	[smem:$0x3FBA] =	sst s0;
	s0 =	simm.s32 @!p2 $0x0  }
0x16: {  	s3 =	sld [smem:$0x3FDB];
	s0 =	simm.s32 @p2 $0x1  }
0x17: {  	s4 =	simm.s32 $0x1BF5;
	[smem:$0x3FBC] =	sst s0  }
0x18: {  	s0 =	sld [smem:$0x3F9F];
	_ =	swait.ge [sflag:s4], $0x0  }
0x19: {  	s7 =	sld [smem:$0x3FA0]  }
0x1a: {  	s8 =	sadd.s32 $0xFFFFE003, lr  }
0x1b: {  	s9 =	sadd.s32 $0xFFFFFEF7, lr;
	s5 =	simm.s32 $0xFFFFFFFF;
	p2 =	slt.u32 s8, $0xFFFFF086  }
0x1c: {  	p1 =	slt.u32 s9, $0xF7A;
	s5 =	simm.s32 @!p2 $0x0  }
0x1d: {  	s5 =	simm.s32 @p1 $0x1;
	p0 =	seq.s32 s7, s2  }
0x1e: {  	s7 =	smul.u32 @!p0 $0xF7A, s2;
	p2 =	seq.s32 @!p0 s5, $0x0  }
0x1f: {  	s9 =	smul.u32 $0xF7A, s1;
	s8 =	simm.s32 @!p0 $0x1BF5;
	p2 =	por !p2, p0  }
0x20: {  	[sflag:s8] =	ssyncset.s32 @!p0 $0xFFFFF086;
	s6 =	sadd.s32 @!p0 s3, s7;
	s7 =	simm.s32 @!p0 $0x108  }
0x21: {  	s3 =	sadd.s32 s3, s9;
	s6 =	sadd.s32 @!p0 $0x88, s6;
	s7 =	simm.s32 @p2 $0x1082  }
0x22: {  	[simem:s7], [sflag:s8] =	dma.local @!p0 [hbm:s6], $0xF7A  }
0x23: {  	s9 =	sor.u32 $0xD0000000, s2;
	s6 =	simm.s32 $0x108;
	_ =	swait.ge @!p0 [sflag:s8], $0x0  }
0x24: {  	s3 =	sadd.s32 $0x88, s3;
	s6 =	simm.s32 @!p1 $0x1082;
	[sflag:s4] =	ssyncset.s32 $0xFFFFF086  }
0x25: {  	[simem:s6], [sflag:s4] =	dma.local [hbm:s3], $0xF7A  }
0x26: {  	[smem:$0x3FA0] =	sst s1;
	(tag) =	ssettag s2;
	_ =	strace s9  }
0x27: {  	s1 =	sld [smem:$0x3FB0]  }
0x28: {  	s2 =	sld [smem:$0x3FB1]  }
0x29: {  	s4 =	sld [smem:$0x3FB3]  }
0x2a: {  	p0 =	seq.s32 s5, $0x0;
	s5 =	sld [smem:$0x3FB4]  }
0x2b: {  	s6 =	sld [smem:$0x3FB5]  }
0x2c: {  	s7 =	sld [smem:$0x3FB6]  }
0x2d: {  	s3 =	simm.s32 $0x108;
	s8 =	sld [smem:$0x3FB7]  }
0x2e: {  	s3 =	simm.s32 @!p0 $0x1082;
	s9 =	sld [smem:$0x3FB8]  }
0x2f: {  	lr =	sadd.s32 s0, s3;
	s0 =	sld [smem:$0x3FAF]  }
0x30: {  	s3 =	sld [smem:$0x3FB2]  }
0x31: {  	[smem:$0x3FBB] =	sst s10  }
0x32: {  	s10 =	sld [smem:$0x3FB9];
	_ =	sdelay $0x3  }
0x33: {  	p0 =	seq.s32 s10, $0x1;
	s10 =	sld [smem:$0x3FBB];
	_ =	sdelay $0x3  }
0x34: {  	[smem:$0x3FBB] =	sst s10  }
0x35: {  	s10 =	sld [smem:$0x3FBA];
	_ =	sdelay $0x3  }
0x36: {  	p1 =	seq.s32 s10, $0x1;
	s10 =	sld [smem:$0x3FBB];
	_ =	sdelay $0x3  }
0x37: {  	[smem:$0x3FBB] =	sst s10  }
0x38: {  	s10 =	sld [smem:$0x3FBC]  }
0x39: {  	_ = 	snop;
	(pc) =	sbr.ind lr, $3  }
0x3a: {  	_ = 	snop  }
0x3b: {  	_ = 	snop  }
0x3c: {  	p2 =	seq.s32 s10, $0x1;
	s10 =	sld [smem:$0x3FBB]  }
0x3d: {  	_ =	shalt  }
0x3e: {  	_ =	shalt  }
0x3f: {  	_ =	shalt  }
0x40: {  	_ =	shalt  }
0x41: {  	_ =	shalt  }
0x42: {  	_ =	shalt  }
0x43: {  	_ =	shalt  }
0x44: {  	_ =	shalt  }
0x45: {  	_ =	shalt  }
0x46: {  	_ =	shalt  }
0x47: {  	_ =	shalt  }
0x48: {  	_ =	shalt  }
0x49: {  	_ =	shalt  }
0x4a: {  	_ =	shalt  }
0x4b: {  	_ =	shalt  }
0x4c: {  	_ =	shalt  }
0x4d: {  	_ =	shalt  }
0x4e: {  	_ =	shalt  }
0x4f: {  	_ =	shalt  }
0x50: {  	_ =	shalt  }
0x51: {  	_ =	shalt  }
0x52: {  	_ =	shalt  }
0x53: {  	_ =	shalt  }
0x54: {  	_ =	shalt  }
0x55: {  	_ =	shalt  }
0x56: {  	_ =	shalt  }
0x57: {  	_ =	shalt  }
0x58: {  	_ =	shalt  }
0x59: {  	_ =	shalt  }
0x5a: {  	_ =	shalt  }
0x5b: {  	_ =	shalt  }
0x5c: {  	_ =	shalt  }
0x5d: {  	_ =	shalt  }
0x5e: {  	_ =	shalt  }
0x5f: {  	_ =	shalt  }
0x60: {  	_ =	shalt  }
0x61: {  	_ =	shalt  }
0x62: {  	_ =	shalt  }
0x63: {  	_ =	shalt  }
0x64: {  	_ =	shalt  }
0x65: {  	_ =	shalt  }
0x66: {  	_ =	shalt  }
0x67: {  	_ =	shalt  }
0x68: {  	_ =	shalt  }
0x69: {  	_ =	shalt  }
0x6a: {  	_ =	shalt  }
0x6b: {  	_ =	shalt  }
0x6c: {  	_ =	shalt  }
0x6d: {  	_ =	shalt  }
0x6e: {  	_ =	shalt  }
0x6f: {  	_ =	shalt  }
0x70: {  	_ =	shalt  }
0x71: {  	_ =	shalt  }
0x72: {  	_ =	shalt  }
0x73: {  	_ =	shalt  }
0x74: {  	_ =	shalt  }
0x75: {  	_ =	shalt  }
0x76: {  	_ =	shalt  }
0x77: {  	_ =	shalt  }
0x78: {  	_ =	shalt  }
0x79: {  	_ =	shalt  }
0x7a: {  	_ =	shalt  }
0x7b: {  	_ =	shalt  }
0x7c: {  	_ =	shalt  }
0x7d: {  	_ =	shalt  }
0x7e: {  	_ =	shalt  }
0x7f: {  	_ =	shalt  }
0x80: {  	_ =	shalt  }
0x81: {  	_ =	shalt  }
0x82: {  	_ =	shalt  }
0x83: {  	_ =	shalt  }
0x84: {  	_ =	shalt  }
0x85: {  	_ =	shalt  }
0x86: {  	_ =	shalt  }
0x87: {  	_ =	shalt  }
.Lfunc_end0:
.L_simem_size_0:
called_computation_lowered:
.L_overlay_start_0:
0x88: {  	s2 =	sld [smem:$0x3FD9]  }
0x89: {  	s3 =	sld [smem:$0x3FFE];
	_ =	sdelay $0x1  }
0x8a: {  	s1 =	srdreg.scid  }
0x8b: {  	s0 =	sand.u32 $0x1, s1  }
0x8c: {  	s17 =	sshll.u32 s0, $0xA;
	s2 =	sadd.s32 s3, s2  }
0x8d: {  	s2 =	sadd.s32 s2, s17  }
0x8e: {  	[smem:$0x3FC7] =	sst s2  }
0x8f: {  	_ = 	snop  }
0x90: {  	s2 =	sld [smem:$0x3FC9]  }
0x91: {  	s18 =	sld [smem:$0x3FD0];
	(tm) =	ssettm $0x1  }
0x92: {  	s4 =	sld [smem:$0x3FFB];
	_ =	sdelay $0x3  }
0x93: {  	_ =	strace s4  }
0x94: {  	s4 =	sld [smem:$0x3FFC];
	_ =	sdelay $0x3  }
0x95: {  	_ =	strace s4  }
0x96: {  	s4 =	sld [smem:$0x3FFD];
	_ =	sdelay $0x3  }
0x97: {  	_ =	strace s4  }
0x98: {  	_ =	strace $0x8FFFFFFF  }
0x99: {  	s19 =	sld [smem:$0x3FDB];
	_ =	sdelay $0x1  }
0x9a: {  	s5 =	simm.s32 $_scs_section_size  }
0x9b: {  	s6 =	simm.s32 $_size__tile_overlayer_lowered;
	s7 =	simm.s32 $_tile_overlayer_lowered  }
0x9c: {  	s22 =	simm.s32 $0x1BFF;
	s21 =	sshll.u32 s7, $0x1;
	s4 =	sadd.s32 s5, s19  }
0x9d: {  	s8 =	simm.s32 $0x0;
	s20 =	sshll.u32 s6, $0x1;
	s6 =	sadd.s32 s21, s4  }
0x9e: {  	[timem:s8], [sflag:s22] =	dma.local [hbm:s6], s20  }
0x9f: {  	_ =	swait.ge [sflag:s22], s20  }
0xa0: {  	s5 =	ssub.s32 $0x0, s20;
	[sflag:s22] =	ssyncset.done $0x0  }
0xa1: {  	[sflag:s22] =	ssyncadd.s32 s5;
	_ =	sdelay $0x1  }
0xa2: {  	s23 =	simm.s32 $0x1B8B  }
0xa3: {  	_ =	swait.ge [sflag:s23], $0x1  }
0xa4: {  	[sflag:s23] =	ssyncset.done $0x0  }
0xa5: {  	s25 =	simm.s32 $0x1B8E;
	s24 =	sld [smem:$0x3FFE];
	[sflag:s23] =	ssyncadd.s32 $0xFFFFFFFF  }
0xa6: {  	s26 =	simm.s32 $execute0_lowered;
	[smem:$0x3FD2] =	sst s25  }
0xa7: {  	s6 =	sshll.u32 s26, $0x1;
	_ =	strace $0x80000046;
	[dreg:$0x1] =	wrdreg $0xFFFFFFFF  }
0xa8: {  	s28 =	simm.s32 $_size_execute0_lowered;
	s4 =	sadd.s32 s4, s6;
	[dreg:$0x0] =	wrdreg $0x0  }
0xa9: {  	s6 =	sshll.u32 s28, $0x1;
	[dreg:$0x2] =	wrdreg s4  }
0xaa: {  	[dreg:$0x3] =	wrdreg s6  }
0xab: {  	[dreg:$0x4] =	wrdreg $0xC0  }
0xac: {  	_ =	task [dreg:s8], $0x5FFFF  }
0xad: {  	[dreg:$0x1] =	wrdreg $0xFFFFFFFF  }
0xae: {  	[dreg:$0x0] =	wrdreg $0x60  }
0xaf: {  	[dreg:$0x2] =	wrdreg s2  }
0xb0: {  	[dreg:$0x3] =	wrdreg s24  }
0xb1: {  	[dreg:$0x4] =	wrdreg s18  }
0xb2: {  	[dreg:$0x5] =	wrdreg $0x9  }
0xb3: {  	_ =	task.clear_ibuf [dreg:s8], $0x6FFFF;
	_ =	strace $0x90000046  }
0xb4: {  	s29 =	simm.s32 $0x9;
	_ =	strace $0x80000048  }
0xb5: {  	_ =	swait.ge [sflag:s29], $0x1  }
0xb6: {  	[sflag:s29] =	ssyncadd.s32 $0xFFFFFFFF  }
0xb7: {  	_ =	strace $0x90000048  }
0xb8: {  	_ =	sfence  }
0xb9: {  	s30 =	sld [smem:$0x0];
	_ =	sdelay $0x2  }
0xba: {  	s31 =	sshll.u32 s1, $0xD;
	s1 =	sshrl.u32 s1, $0x2  }
0xbb: {  	s3 =	sand.u32 $0x4000, s31;
	s1 =	sadd.s32 s1, s30  }
0xbc: {  	s0 =	sor.u32 s3, s0;
	s1 =	sshll.u32 s1, $0x11  }
0xbd: {  	s0 =	sor.u32 s1, s0  }
0xbe: {  	s0 =	sadd.s32 $0x8F2B, s0  }
0xbf: {  	[sflag:s0] =	ssyncadd.remote.s32 $0x1  }
0xc0: {  	_ =	sfence.sel $0xFFFF  }
0xc1: {  	[dreg:$0x0] =	wrdreg $0xFFFFFFFF;
	(pc) =	sbr.abs _section_cstart, $3  }
0xc2: {  	[dreg:$0x1] =	wrdreg $0xFFFFFFFF  }
0xc3: {  	_ =	task.clear_ibuf [dreg:s8], $0x2FFFF;
	_ =	strace $0x9FFFFFFF  }
0xc4: {  	(tm) =	ssettm $0x7FFFFFFF  }
0xc5: {  	_ =	shalt  }
tec
execute0_lowered:
.L_overlay_start_1:
0x0: {  	(tag) =	ssettag $0x1  }
0x1: {  	s1 =	srdreg.scid;
	s2 =	stileid.u32  }
0x2: {  	s1 =	sand.u32 $0x1, s1;
	s2 =	sshll.u32 s2, $0x1  }
0x3: {  	s2 =	sor.u32 s1, s2  }
0x4: {  	s28 =	smul.u32 $0x120, s2  }
0x5: {  	s5 =	rddreg [dreg:$0x0];
	s3 =	simm.s32 $0x0;
	s4 =	smul.u32 $0xD800, s2  }
0x6: {  	[smem:$0x7FF] =	sst s3;
	s1 =	ssub.s32 $0x2, s1;
	s2 =	smul.u32 $0xC, s2  }
0x7: {  	s0 =	rddreg [dreg:$0x1];
	_ =	strace $0x80000047;
	s29 =	sshrl.u32 s1, $0x1  }
0x8: {  	s1 =	ssub.s32 s1, s29;
	[dreg:$0x4] =	wrdreg s2;
	s30 =	sadd.s32 s5, s4  }
0x9: {  	s0 =	sadd.s32 s28, s0;
	s31 =	smax.u32 s1, $0x1;
	[dreg:$0x6] =	wrdreg s30  }
0xa: {  	s0 =	sadd.s32 $0x400, s0;
	[dreg:$0x7] =	wrdreg s31  }
0xb: {  	s2 =	simm.s32 $0x0;
	[dreg:$0x5] =	wrdreg s0  }
.LBB2_1:
0xc: {  	[dreg:$0x8] =	wrdreg s2  }
0xd: {  	s0 =	simm.s32 $0x0;
	s1 =	rddreg [dreg:$0x5]  }
0xe: {  	s28 =	simm.s32 $0x3;
	s30 =	simm.s32 $0x400;
	s31 =	simm.s32 $0xC00  }
0xf: {  	[tilespmem:s0], [sflag:$0x3] =	stream.linear.gather [hbm4b:s1+s0], $0x900, $0x38;
	[tilespmem:$0xC900] =	vst v63  }
0x10: {  	s3 =	simm.s32 $0x900;
	s5 =	simm.s32 $0x0;
	_ =	swait.ge [sflag:s28], $0x900  }
0x11: {  	s8 =	simm.s32 $0x0;
	s9 =	simm.s32 $0x0;
	[sflag:s28] =	ssyncset.done $0x0  }
0x12: {  	s0 =	simm.s32 $0x0;
	s29 =	rddreg [dreg:$0x6];
	[sflag:s28] =	ssyncadd.s32 $0xFFFFF700  }
0x13: {  	[tilespmem:s3], [sflag:$0x1] =	stream.strided.gather [hbm4b:s29+s30], $0x3000, s31, s30, $0x38;
	[tilespmem:$0xC900] =	vst v63  }
.LBB2_2:
0x14: {  	s6 =	sadd.s32 $0x1, s5  }
0x15: {  	s1 =	simm.s32 $0x1;
	p0 =	sgt.s32 s6, $0x2  }
0x16: {  	s1 =	simm.s32 @!p0 $0x0  }
0x17: {  	s6 =	simm.s32 @p0 $0x0;
	p0 =	seq.s32 s0, $0x0;
	s7 =	sadd.s32 s1, s8  }
0x18: {  	s1 =	simm.s32 $0x1;
	p2 =	seq.s32 @!p0 s0, $0x8F;
	p1 =	sgt.s32 s7, $0xB  }
0x19: {  	s1 =	simm.s32 @!p1 $0x0;
	s7 =	simm.s32 @p1 $0x0;
	p1 =	por p0, !p2  }
.Ltmp0:
0x1a: {  	_ = 	snop;
	(pc) =	sbr.rel @!p1 .LBB2_4-.Ltmp0, $4  }
0x1b: {  	s2 =	simm.s32 @!p0 $0x2  }
0x1c: {  	_ =	swait.ge @!p0 [sflag:s2], $0x3000  }
0x1d: {  	[sflag:s2] =	ssyncset.done @!p0 $0x0  }
0x1e: {  	s11 =	sadd.s32 $0x1, s0;
	s10 =	sadd.s32 s1, s9;
	[sflag:s2] =	ssyncadd.s32 @!p0 $0xFFFFD000  }
0x1f: {  	s1 =	rddreg [dreg:$0x4]  }
0x20: {  	s1 =	sadd.s32 s1, s7  }
0x21: {  	s1 =	smul.u32 $0x9000, s1  }
0x22: {  	s2 =	smul.u32 $0xD80000, s10;
	s3 =	sshll.u32 s6, $0xA  }
0x23: {  	s29 =	sand.u32 $0x1, s11;
	s1 =	sadd.s32 s3, s1  }
0x24: {  	s30 =	rddreg [dreg:$0x0];
	s31 =	simm.s32 $0x400;
	s1 =	sadd.s32 s2, s1  }
0x25: {  	p0 =	seq.s32 s29, $0x1;
	s2 =	simm.s32 $0x3900;
	s1 =	sshrl.u32 s1, $0x3  }
0x26: {  	s4 =	simm.s32 $0xC00;
	s2 =	simm.s32 @!p0 $0x900;
	s1 =	sadd.s32 s30, s1  }
0x27: {  	[tilespmem:s2], [sflag:$0x1] =	stream.strided.gather [hbm4b:s1+s31], $0x3000, s4, s31, $0x38;
	[tilespmem:$0xC900] =	vst v63  }
.LBB2_4:
0x28: {  	[dreg:$0xf] =	wrdreg s11  }
0x29: {  	[dreg:$0xe] =	wrdreg s10;
	s1 =	smul.u32 $0xC, s9  }
0x2a: {  	[dreg:$0xb] =	wrdreg s7  }
0x2b: {  	[dreg:$0xa] =	wrdreg s6;
	s1 =	sadd.s32 s8, s1  }
0x2c: {  	[dreg:$0xd] =	wrdreg s9;
	s1 =	smul.u32 $0x3, s1  }
0x2d: {  	[dreg:$0xc] =	wrdreg s8;
	s2 =	simm.s32 $0x1  }
0x2e: {  	_ =	swait.ge [sflag:s2], $0x3000;
	s1 =	sadd.s32 s5, s1  }
0x2f: {  	[sflag:s2] =	ssyncset.done $0x0;
	s1 =	sshll.u32 s1, $0x6  }
0x30: {  	[sflag:s2] =	ssyncadd.s32 $0xFFFFD000;
	s1 =	sshra.s32 s1, $0x2  }
0x31: {  	v0 =	vld [tilespmem:s1+$0x0];
	_ =	sdelay $0x4  }
0x32: {  	(v2sf) =	vpush v0, $0x0  }
0x33: {  	(v2sf) =	vpush v0, $0x1  }
0x34: {  	(v2sf) =	vpush v0, $0x2  }
0x35: {  	(v2sf) =	vpush v0, $0x3  }
0x36: {  	(v2sf) =	vpush v0, $0x4  }
0x37: {  	(v2sf) =	vpush v0, $0x5  }
0x38: {  	(v2sf) =	vpush v0, $0x6  }
0x39: {  	(v2sf) =	vpush v0, $0x7;
	_ =	sdelay $0x5  }
0x3a: {  	s0 =	sand.u32 $0x1, s0;
	[dreg:$0x9] =	wrdreg s5  }
0x3b: {  	[dreg:$0x10] =	wrdreg s0  }
0x3c: {  	s0 =	smul.u32 $0x3000, s0;
	s22 =	spop (v2sf)  }
0x3d: {  	[dreg:$0x11] =	wrdreg s22;
	s23 =	spop (v2sf)  }
0x3e: {  	[dreg:$0x12] =	wrdreg s23;
	s24 =	spop (v2sf)  }
0x3f: {  	[dreg:$0x13] =	wrdreg s24;
	s25 =	spop (v2sf)  }
0x40: {  	[dreg:$0x14] =	wrdreg s25;
	s26 =	spop (v2sf)  }
0x41: {  	[dreg:$0x15] =	wrdreg s26;
	s28 =	spop (v2sf)  }
0x42: {  	s30 =	sor.u32 $0x900, s0;
	[dreg:$0x16] =	wrdreg s28;
	s29 =	spop (v2sf)  }
0x43: {  	s3 =	sadd.s32 $0x6900, s0;
	[dreg:$0x17] =	wrdreg s29;
	s31 =	spop (v2sf)  }
0x44: {  	s14 =	simm.s32 $0x0;
	v1 =	vmov s3;
	v0 =	vmov s30;
	[dreg:$0x18] =	wrdreg s31  }
.LBB2_5:
0x45: {  	s21 =	rddreg [dreg:$0x11]  }
0x46: {  	s0 =	rddreg [dreg:$0x12]  }
0x47: {  	s7 =	rddreg [dreg:$0x13]  }
0x48: {  	s9 =	rddreg [dreg:$0x14]  }
0x49: {  	s11 =	rddreg [dreg:$0x15]  }
0x4a: {  	s3 =	sshll.u32 s14, $0x7;
	s15 =	rddreg [dreg:$0x16]  }
0x4b: {  	s17 =	rddreg [dreg:$0x17];
	s1 =	sadd.s32 s21, s14;
	s4 =	sadd.s32 s0, s14  }
0x4c: {  	s31 =	smov.u32 s0;
	s30 =	sand.u32 $0x3FFFFF80, s3;
	s8 =	sadd.s32 s7, s14  }
0x4d: {  	s13 =	smov.u32 s7;
	s10 =	sadd.s32 s9, s14;
	s29 =	smov.u32 s9  }
0x4e: {  	s12 =	sadd.s32 s11, s14;
	s20 =	smov.u32 s11;
	s16 =	sadd.s32 s15, s14  }
0x4f: {  	s25 =	smov.u32 s15;
	s18 =	sadd.s32 s17, s14;
	s2 =	smov.u32 s17  }
0x50: {  	s0 =	rddreg [dreg:$0x18];
	s15 =	sor.u32 $0x1, s14;
	p0 =	sgt.s32 s1, $0x5F  }
0x51: {  	s6 =	sshll.u32 s1, $0x7;
	s5 =	sshll.u32 s4, $0x7;
	s9 =	sshll.u32 s10, $0x7  }
0x52: {  	p1 =	sgt.s32 s16, $0x5F;
	s19 =	sadd.s32 s0, s14;
	s22 =	sadd.s32 s31, s15  }
0x53: {  	s23 =	sshll.u32 s15, $0x7;
	s24 =	sadd.s32 s29, s15;
	s17 =	sadd.s32 s20, s15  }
0x54: {  	s28 =	smov.u32 s20;
	s26 =	sadd.s32 s25, s15;
	s1 =	sadd.s32 $0xFFFFD000, s6  }
0x55: {  	s6 =	smov.u32 @p0 s1;
	p0 =	sgt.s32 s4, $0x5F;
	s1 =	sadd.s32 $0xFFFFD000, s5  }
0x56: {  	s4 =	sshll.u32 s8, $0x7;
	s5 =	smov.u32 @p0 s1;
	p0 =	sgt.s32 s8, $0x5F  }
0x57: {  	s3 =	sadd.s32 $0xFFFFD000, s4;
	s1 =	sadd.s32 $0xFFFFD000, s9;
	s8 =	sshll.u32 s12, $0x7  }
0x58: {  	s4 =	smov.u32 @p0 s3;
	p0 =	sgt.s32 s10, $0x5F;
	s7 =	sadd.s32 $0xFFFFD000, s8  }
0x59: {  	s10 =	sshll.u32 s19, $0x7;
	s9 =	smov.u32 @p0 s1;
	p0 =	sgt.s32 s12, $0x5F  }
0x5a: {  	s1 =	sshll.u32 s16, $0x7;
	s12 =	sadd.s32 s21, s15;
	s16 =	sadd.s32 s13, s15  }
0x5b: {  	s3 =	sadd.s32 $0xFFFFD000, s1;
	s8 =	smov.u32 @p0 s7;
	p0 =	sgt.s32 s18, $0x5F  }
0x5c: {  	s7 =	sadd.s32 $0xFFFFD000, s10;
	s1 =	smov.u32 @p1 s3;
	s3 =	sshll.u32 s18, $0x7  }
0x5d: {  	p1 =	sgt.s32 s19, $0x5F;
	s18 =	sshll.u32 s22, $0x7;
	s19 =	sshll.u32 s16, $0x7  }
0x5e: {  	s11 =	sadd.s32 $0xFFFFD000, s3;
	s10 =	smov.u32 @p1 s7;
	s7 =	sshll.u32 s12, $0x7  }
0x5f: {  	p1 =	sgt.s32 s17, $0x5F;
	s3 =	smov.u32 @p0 s11;
	[dreg:$0x1e] =	wrdreg s10  }
0x60: {  	p0 =	sgt.s32 s12, $0x5F;
	s11 =	sadd.s32 $0xFFFFD000, s7;
	s12 =	sadd.s32 $0xFFFFD000, s18  }
0x61: {  	s10 =	smov.u32 s13;
	s13 =	sand.u32 $0x3FFFFF80, s23;
	s23 =	sadd.s32 s0, s15  }
0x62: {  	s7 =	smov.u32 @p0 s11;
	p0 =	sgt.s32 s22, $0x5F;
	s11 =	sadd.s32 $0xFFFFD000, s19  }
0x63: {  	s22 =	sadd.s32 s2, s15;
	s18 =	smov.u32 @p0 s12;
	p0 =	sgt.s32 s16, $0x5F  }
0x64: {  	s16 =	sshll.u32 s24, $0x7;
	s19 =	smov.u32 @p0 s11;
	p0 =	sgt.s32 s24, $0x5F  }
0x65: {  	s12 =	sadd.s32 $0xFFFFD000, s16;
	s11 =	sshll.u32 s17, $0x7;
	s24 =	sshll.u32 s26, $0x7  }
0x66: {  	v2 =	vld.idx.msk [tilespmem:v0+s6+$0x0 ss:$0x1], $0xffff;
	s17 =	sadd.s32 $0xFFFFD000, s11;
	s16 =	smov.u32 @p0 s12;
	p0 =	sgt.s32 s26, $0x5F  }
0x67: {  	s6 =	sadd.s32 $0xFFFFD000, s24;
	s12 =	sshll.u32 s22, $0x7;
	s26 =	smov.u32 s0  }
0x68: {  	v3 =	vld.idx.msk [tilespmem:v0+s7+$0x0 ss:$0x1], $0xffff;
	s11 =	smov.u32 @p1 s17;
	s24 =	smov.u32 @p0 s6;
	p0 =	sgt.s32 s22, $0x5F  }
0x69: {  	s6 =	sadd.s32 $0xFFFFD000, s12;
	s17 =	sor.u32 $0x2, s14;
	s22 =	sshll.u32 s23, $0x7  }
0x6a: {  	s12 =	smov.u32 @p0 s6;
	s15 =	sadd.s32 s21, s17;
	p0 =	sgt.s32 s23, $0x5F  }
0x6b: {  	[tilespmem:v1+s30+$0x0 ss:$0x1] =	vst.idx.msk $0xffff, v2;
	s7 =	sadd.s32 $0xFFFFD000, s22;
	s20 =	sadd.s32 s31, s17;
	s23 =	sshll.u32 s15, $0x7  }
0x6c: {  	v2 =	vld.idx.msk [tilespmem:v0+s5+$0x10 ss:$0x1], $0xffff;
	p1 =	sgt.s32 s15, $0x5F;
	s22 =	smov.u32 @p0 s7;
	s0 =	sshll.u32 s20, $0x7  }
0x6d: {  	[tilespmem:v1+s13+$0x0 ss:$0x1] =	vst.idx.msk $0xffff, v3;
	p0 =	sgt.s32 s20, $0x5F;
	s20 =	sadd.s32 s10, s17;
	s6 =	sadd.s32 $0xFFFFD000, s23  }
0x6e: {  	v3 =	vld.idx.msk [tilespmem:v0+s18+$0x10 ss:$0x1], $0xffff;
	s5 =	sadd.s32 $0xFFFFD000, s0;
	s18 =	sshll.u32 s20, $0x7;
	s23 =	smov.u32 @p1 s6  }
0x6f: {  	s0 =	smov.u32 @p0 s5;
	s5 =	sadd.s32 s29, s17;
	p0 =	sgt.s32 s20, $0x5F  }
0x70: {  	s6 =	sadd.s32 $0xFFFFD000, s18;
	s20 =	sadd.s32 s28, s17;
	[dreg:$0x1f] =	wrdreg s0  }
0x71: {  	[tilespmem:v1+s30+$0x10 ss:$0x1] =	vst.idx.msk $0xffff, v2;
	s15 =	sshll.u32 s5, $0x7;
	s18 =	smov.u32 @p0 s6;
	p0 =	sgt.s32 s5, $0x5F  }
0x72: {  	v2 =	vld.idx.msk [tilespmem:v0+s4+$0x20 ss:$0x1], $0xffff;
	s5 =	smov.u32 s30;
	s30 =	smov.u32 s28;
	s0 =	smov.u32 s25  }
0x73: {  	s28 =	sadd.s32 s25, s17;
	s7 =	sshll.u32 s20, $0x7;
	s6 =	sadd.s32 $0xFFFFD000, s15  }
0x74: {  	s25 =	sshll.u32 s28, $0x7;
	s4 =	sadd.s32 $0xFFFFD000, s7;
	p1 =	sgt.s32 s28, $0x5F  }
0x75: {  	s15 =	smov.u32 @p0 s6;
	p0 =	sgt.s32 s20, $0x5F;
	s6 =	sadd.s32 $0xFFFFD000, s25  }
0x76: {  	s26 =	sadd.s32 s26, s17;
	s7 =	smov.u32 @p0 s4;
	s25 =	smov.u32 @p1 s6  }
0x77: {  	[tilespmem:v1+s5+$0x20 ss:$0x1] =	vst.idx.msk $0xffff, v2;
	s4 =	sshll.u32 s26, $0x7;
	s6 =	sor.u32 $0x3, s14;
	[dreg:$0x1d] =	wrdreg s7  }
0x78: {  	v2 =	vld.idx.msk [tilespmem:v0+s9+$0x30 ss:$0x1], $0xffff;
	[tilespmem:v1+s13+$0x10 ss:$0x1] =	vst.idx.msk $0xffff, v3;
	p1 =	sgt.s32 s26, $0x5F;
	[dreg:$0x1b] =	wrdreg s25;
	s25 =	sadd.s32 s2, s17  }
0x79: {  	v3 =	vld.idx.msk [tilespmem:v0+s19+$0x20 ss:$0x1], $0xffff;
	s19 =	sadd.s32 $0xFFFFD000, s4;
	s7 =	sadd.s32 s21, s6;
	s26 =	sadd.s32 s10, s6  }
0x7a: {  	p0 =	sgt.s32 s25, $0x5F;
	s28 =	sshll.u32 s25, $0x7;
	s4 =	smov.u32 @p1 s19  }
0x7b: {  	p1 =	sgt.s32 s26, $0x5F;
	s20 =	sadd.s32 $0xFFFFD000, s28;
	[dreg:$0x19] =	wrdreg s4  }
0x7c: {  	s4 =	smov.u32 s29;
	s29 =	sadd.s32 s29, s6;
	s28 =	smov.u32 @p0 s20  }
0x7d: {  	p0 =	sgt.s32 s7, $0x5F;
	s20 =	sadd.s32 s31, s6;
	[tilespmem:v1+s5+$0x30 ss:$0x1] =	vst.idx.msk $0xffff, v2;
	s19 =	sshll.u32 s29, $0x7  }
0x7e: {  	[dreg:$0x1a] =	wrdreg s28;
	s28 =	sshll.u32 s7, $0x7;
	s25 =	sshll.u32 s20, $0x7;
	v2 =	vld.idx.msk [tilespmem:v0+s8+$0x40 ss:$0x1], $0xffff;
	[tilespmem:v1+s13+$0x20 ss:$0x1] =	vst.idx.msk $0xffff, v3  }
0x7f: {  	s7 =	smov.u32 s10;
	s8 =	sadd.s32 $0xFFFFD000, s19;
	s9 =	sadd.s32 $0xFFFFD000, s28;
	v3 =	vld.idx.msk [tilespmem:v0+s16+$0x30 ss:$0x1], $0xffff  }
0x80: {  	s28 =	smov.u32 @p0 s9;
	p0 =	sgt.s32 s20, $0x5F;
	s20 =	sshll.u32 s26, $0x7  }
0x81: {  	s16 =	sadd.s32 $0xFFFFD000, s25;
	s26 =	sadd.s32 s0, s6;
	s9 =	sadd.s32 $0xFFFFD000, s20  }
0x82: {  	s25 =	smov.u32 @p0 s16;
	p0 =	sgt.s32 s29, $0x5F;
	s16 =	sadd.s32 s30, s6  }
0x83: {  	s19 =	smov.u32 @p0 s8;
	p0 =	sgt.s32 s16, $0x5F;
	s16 =	sshll.u32 s16, $0x7  }
0x84: {  	s29 =	sadd.s32 s2, s6;
	s20 =	smov.u32 @p1 s9;
	s8 =	sadd.s32 $0xFFFFD000, s16;
	[tilespmem:v1+s13+$0x30 ss:$0x1] =	vst.idx.msk $0xffff, v3  }
0x85: {  	p1 =	sgt.s32 s26, $0x5F;
	[tilespmem:v1+s5+$0x40 ss:$0x1] =	vst.idx.msk $0xffff, v2;
	s16 =	smov.u32 @p0 s8;
	s8 =	sor.u32 $0x4, s14;
	v3 =	vld.idx.msk [tilespmem:v0+s11+$0x40 ss:$0x1], $0xffff  }
0x86: {  	s0 =	sshll.u32 s29, $0x7;
	p0 =	sgt.s32 s29, $0x5F;
	v2 =	vld.idx.msk [tilespmem:v0+s1+$0x50 ss:$0x1], $0xffff;
	s30 =	sadd.s32 s21, s8  }
0x87: {  	s2 =	sadd.s32 s10, s8;
	s11 =	sshll.u32 s26, $0x7;
	s26 =	sadd.s32 $0xFFFFD000, s0  }
0x88: {  	s4 =	sadd.s32 s4, s8;
	s9 =	sadd.s32 $0xFFFFD000, s11;
	s0 =	smov.u32 @p0 s26  }
0x89: {  	p0 =	sgt.s32 s30, $0x5F;
	s30 =	sshll.u32 s30, $0x7;
	s26 =	sshll.u32 s2, $0x7  }
0x8a: {  	[dreg:$0x1c] =	wrdreg s0;
	s0 =	smov.u32 s31;
	s31 =	sadd.s32 s31, s8;
	[tilespmem:v1+s13+$0x40 ss:$0x1] =	vst.idx.msk $0xffff, v3  }
0x8b: {  	s11 =	smov.u32 @p1 s9;
	s1 =	sadd.s32 $0xFFFFD000, s30;
	s29 =	sshll.u32 s31, $0x7;
	[tilespmem:v1+s5+$0x50 ss:$0x1] =	vst.idx.msk $0xffff, v2;
	v3 =	vld.idx.msk [tilespmem:v0+s24+$0x50 ss:$0x1], $0xffff  }
0x8c: {  	p1 =	sgt.s32 s31, $0x5F;
	s30 =	smov.u32 @p0 s1;
	p0 =	sgt.s32 s2, $0x5F;
	v2 =	vld.idx.msk [tilespmem:v0+s3+$0x60 ss:$0x1], $0xffff  }
0x8d: {  	s3 =	sadd.s32 $0xFFFFD000, s26;
	v6 =	vld.idx.msk [tilespmem:v0+s30+$0x0 ss:$0x1], $0xffff;
	s30 =	sshll.u32 s8, $0x7;
	s24 =	sadd.s32 $0xFFFFD000, s29  }
0x8e: {  	s26 =	smov.u32 @p0 s3;
	s3 =	smov.u32 s0;
	s29 =	smov.u32 @p1 s24  }
0x8f: {  	p1 =	sgt.s32 s4, $0x5F;
	s24 =	sshll.u32 s4, $0x7;
	s4 =	sor.u32 $0x5, s14  }
0x90: {  	s31 =	sadd.s32 $0xFFFFD000, s24;
	s9 =	sadd.s32 s21, s4;
	s10 =	sadd.s32 s0, s4;
	[tilespmem:v1+s13+$0x50 ss:$0x1] =	vst.idx.msk $0xffff, v3  }
0x91: {  	p0 =	sgt.s32 s9, $0x5F;
	v3 =	vld.idx.msk [tilespmem:v0+s12+$0x60 ss:$0x1], $0xffff;
	s12 =	sshll.u32 s9, $0x7;
	s9 =	sor.u32 $0x6, s14  }
0x92: {  	s24 =	smov.u32 @p1 s31;
	s2 =	sadd.s32 $0xFFFFD000, s12;
	s1 =	sadd.s32 s21, s9  }
0x93: {  	s12 =	smov.u32 @p0 s2;
	s2 =	sshll.u32 s10, $0x7;
	p0 =	sgt.s32 s10, $0x5F  }
0x94: {  	[tilespmem:v1+s5+$0x60 ss:$0x1] =	vst.idx.msk $0xffff, v2;
	s0 =	sshll.u32 s1, $0x7;
	s10 =	rddreg [dreg:$0x1e];
	s31 =	sadd.s32 $0xFFFFD000, s2  }
0x95: {  	v2 =	vld.idx.msk [tilespmem:v0+s10+$0x70 ss:$0x1], $0xffff;
	s10 =	sor.u32 $0x7, s14;
	s2 =	smov.u32 @p0 s31;
	p0 =	sgt.s32 s1, $0x5F  }
0x96: {  	s31 =	sadd.s32 $0xFFFFD000, s0;
	s1 =	sadd.s32 s3, s9;
	s3 =	sadd.s32 s3, s10  }
0x97: {  	v4 =	vld.idx.msk [tilespmem:v0+s23+$0x0 ss:$0x1], $0xffff;
	[tilespmem:v1+s13+$0x60 ss:$0x1] =	vst.idx.msk $0xffff, v3;
	s0 =	smov.u32 @p0 s31;
	p0 =	sgt.s32 s1, $0x5F;
	s31 =	sadd.s32 s21, s10  }
0x98: {  	s1 =	sshll.u32 s1, $0x7;
	s21 =	sshll.u32 s17, $0x7;
	v3 =	vld.idx.msk [tilespmem:v0+s22+$0x70 ss:$0x1], $0xffff;
	s22 =	sshll.u32 s31, $0x7  }
0x99: {  	v5 =	vld.idx.msk [tilespmem:v0+s28+$0x0 ss:$0x1], $0xffff;
	p1 =	sgt.s32 s31, $0x5F;
	s23 =	sadd.s32 $0xFFFFD000, s1;
	s28 =	sadd.s32 $0xFFFFD000, s22  }
0x9a: {  	s1 =	smov.u32 @p0 s23;
	p0 =	sgt.s32 s3, $0x5F;
	s23 =	sshll.u32 s6, $0x7  }
0x9b: {  	s22 =	smov.u32 @p1 s28;
	s28 =	sshll.u32 s3, $0x7;
	[tilespmem:v1+s5+$0x70 ss:$0x1] =	vst.idx.msk $0xffff, v2;
	v2 =	vld.idx.msk [tilespmem:v0+s12+$0x0 ss:$0x1], $0xffff;
	s3 =	rddreg [dreg:$0x15]  }
0x9c: {  	s17 =	sadd.s32 $0xFFFFD000, s28;
	v7 =	vld.idx.msk [tilespmem:v0+s22+$0x0 ss:$0x1], $0xffff;
	s31 =	sadd.s32 s3, s8;
	s22 =	rddreg [dreg:$0x1f]  }
0x9d: {  	s28 =	smov.u32 @p0 s17;
	p0 =	sgt.s32 s31, $0x5F;
	[tilespmem:v1+s13+$0x70 ss:$0x1] =	vst.idx.msk $0xffff, v3;
	v3 =	vld.idx.msk [tilespmem:v0+s0+$0x0 ss:$0x1], $0xffff;
	s0 =	sand.u32 $0x3FFFFF80, s21  }
0x9e: {  	s12 =	sshll.u32 s31, $0x7;
	s31 =	sadd.s32 s7, s9;
	s13 =	sand.u32 $0x3FFFFF80, s23;
	[tilespmem:v1+s0+$0x0 ss:$0x1] =	vst.idx.msk $0xffff, v4  }
0x9f: {  	s21 =	sand.u32 $0x3FFFFF80, s30;
	s23 =	sshll.u32 s4, $0x7;
	s30 =	sshll.u32 s10, $0x7;
	[tilespmem:v1+s13+$0x0 ss:$0x1] =	vst.idx.msk $0xffff, v5;
	v4 =	vld.idx.msk [tilespmem:v0+s22+$0x10 ss:$0x1], $0xffff  }
0xa0: {  	[tilespmem:v1+s21+$0x0 ss:$0x1] =	vst.idx.msk $0xffff, v6;
	s23 =	sand.u32 $0x3FFFFF80, s23;
	s17 =	sand.u32 $0x3FFFFF80, s30;
	v5 =	vld.idx.msk [tilespmem:v0+s25+$0x10 ss:$0x1], $0xffff;
	s25 =	sshll.u32 s9, $0x7  }
0xa1: {  	s30 =	rddreg [dreg:$0x14];
	v6 =	vld.idx.msk [tilespmem:v0+s29+$0x10 ss:$0x1], $0xffff;
	[tilespmem:v1+s23+$0x0 ss:$0x1] =	vst.idx.msk $0xffff, v2;
	s29 =	sadd.s32 s7, s4;
	s22 =	sand.u32 $0x3FFFFF80, s25  }
0xa2: {  	v2 =	vld.idx.msk [tilespmem:v0+s2+$0x10 ss:$0x1], $0xffff;
	p1 =	sgt.s32 s29, $0x5F;
	s2 =	sshll.u32 s29, $0x7;
	[tilespmem:v1+s17+$0x0 ss:$0x1] =	vst.idx.msk $0xffff, v7;
	s29 =	rddreg [dreg:$0x16]  }
0xa3: {  	s25 =	sadd.s32 $0xFFFFD000, s2;
	v7 =	vld.idx.msk [tilespmem:v0+s28+$0x10 ss:$0x1], $0xffff;
	s5 =	sadd.s32 s29, s8;
	s28 =	sadd.s32 s7, s10;
	[tilespmem:v1+s22+$0x0 ss:$0x1] =	vst.idx.msk $0xffff, v3  }
0xa4: {  	s7 =	rddreg [dreg:$0x17];
	s2 =	smov.u32 @p1 s25;
	v3 =	vld.idx.msk [tilespmem:v0+s1+$0x10 ss:$0x1], $0xffff;
	s1 =	sadd.s32 $0xFFFFD000, s12  }
0xa5: {  	p1 =	sgt.s32 s28, $0x5F;
	s12 =	smov.u32 @p0 s1;
	[tilespmem:v1+s0+$0x10 ss:$0x1] =	vst.idx.msk $0xffff, v4;
	s1 =	sshll.u32 s31, $0x7  }
0xa6: {  	p0 =	sgt.s32 s31, $0x5F;
	[tilespmem:v1+s13+$0x10 ss:$0x1] =	vst.idx.msk $0xffff, v5;
	s31 =	sadd.s32 s30, s4;
	v4 =	vld.idx.msk [tilespmem:v0+s18+$0x20 ss:$0x1], $0xffff;
	s25 =	sadd.s32 $0xFFFFD000, s1  }
0xa7: {  	v5 =	vld.idx.msk [tilespmem:v0+s20+$0x20 ss:$0x1], $0xffff;
	s18 =	sshll.u32 s5, $0x7;
	[tilespmem:v1+s23+$0x10 ss:$0x1] =	vst.idx.msk $0xffff, v2;
	s20 =	sshll.u32 s28, $0x7;
	s28 =	smov.u32 s3  }
0xa8: {  	[tilespmem:v1+s21+$0x10 ss:$0x1] =	vst.idx.msk $0xffff, v6;
	s1 =	smov.u32 @p0 s25;
	p0 =	sgt.s32 s5, $0x5F;
	v2 =	vld.idx.msk [tilespmem:v0+s2+$0x20 ss:$0x1], $0xffff;
	s2 =	sadd.s32 $0xFFFFD000, s18  }
0xa9: {  	v6 =	vld.idx.msk [tilespmem:v0+s26+$0x20 ss:$0x1], $0xffff;
	s26 =	sadd.s32 $0xFFFFD000, s20;
	s5 =	sadd.s32 s30, s9;
	s18 =	smov.u32 @p0 s2  }
0xaa: {  	[tilespmem:v1+s17+$0x10 ss:$0x1] =	vst.idx.msk $0xffff, v7;
	s20 =	smov.u32 @p1 s26;
	p0 =	sgt.s32 s31, $0x5F;
	s25 =	sshll.u32 s5, $0x7  }
0xab: {  	p1 =	sgt.s32 s5, $0x5F;
	s26 =	sadd.s32 s30, s10;
	s30 =	sadd.s32 s3, s4;
	[tilespmem:v1+s22+$0x10 ss:$0x1] =	vst.idx.msk $0xffff, v3;
	v62 =	vld.idx.msk [tilespmem:v0+s20+$0x20 ss:$0x1], $0xffff  }
0xac: {  	s5 =	sadd.s32 $0xFFFFD000, s25;
	s20 =	sshll.u32 s26, $0x7;
	v3 =	vld.idx.msk [tilespmem:v0+s1+$0x20 ss:$0x1], $0xffff;
	s1 =	sshll.u32 s31, $0x7;
	[tilespmem:v1+s0+$0x20 ss:$0x1] =	vst.idx.msk $0xffff, v4  }
0xad: {  	s25 =	smov.u32 @p1 s5;
	p1 =	sgt.s32 s26, $0x5F;
	s31 =	sadd.s32 s3, s9;
	[tilespmem:v1+s13+$0x20 ss:$0x1] =	vst.idx.msk $0xffff, v5;
	v63 =	vld.idx.msk [tilespmem:v0+s15+$0x30 ss:$0x1], $0xffff  }
0xae: {  	s26 =	smov.u32 s7;
	s3 =	sadd.s32 s29, s10;
	s2 =	sadd.s32 $0xFFFFD000, s1;
	[tilespmem:v1+s21+$0x20 ss:$0x1] =	vst.idx.msk $0xffff, v6;
	v5 =	vld.idx.msk [tilespmem:v0+s19+$0x30 ss:$0x1], $0xffff  }
0xaf: {  	s1 =	smov.u32 @p0 s2;
	s15 =	sadd.s32 s7, s8;
	v6 =	vld.idx.msk [tilespmem:v0+s24+$0x30 ss:$0x1], $0xffff;
	[tilespmem:v1+s23+$0x20 ss:$0x1] =	vst.idx.msk $0xffff, v2;
	s24 =	sadd.s32 s28, s10  }
0xb0: {  	s28 =	sadd.s32 s7, s4;
	s19 =	rddreg [dreg:$0x1a];
	v2 =	vld.idx.msk [tilespmem:v0+s1+$0x30 ss:$0x1], $0xffff;
	s1 =	sadd.s32 $0xFFFFD000, s20  }
0xb1: {  	p0 =	sgt.s32 s15, $0x5F;
	s5 =	sshll.u32 s15, $0x7;
	s20 =	smov.u32 @p1 s1;
	[tilespmem:v1+s17+$0x20 ss:$0x1] =	vst.idx.msk $0xffff, v62  }
0xb2: {  	s15 =	sshll.u32 s31, $0x7;
	s2 =	sadd.s32 $0xFFFFD000, s5;
	p1 =	sgt.s32 s31, $0x5F;
	[tilespmem:v1+s22+$0x20 ss:$0x1] =	vst.idx.msk $0xffff, v3;
	v4 =	vld.idx.msk [tilespmem:v0+s20+$0x30 ss:$0x1], $0xffff  }
0xb3: {  	s5 =	smov.u32 @p0 s2;
	s2 =	sshll.u32 s30, $0x7;
	s20 =	rddreg [dreg:$0x1d];
	v3 =	vld.idx.msk [tilespmem:v0+s25+$0x30 ss:$0x1], $0xffff;
	[tilespmem:v1+s0+$0x30 ss:$0x1] =	vst.idx.msk $0xffff, v63  }
0xb4: {  	s31 =	rddreg [dreg:$0x1b];
	p0 =	sgt.s32 s30, $0x5F;
	s1 =	sadd.s32 $0xFFFFD000, s2;
	[tilespmem:v1+s13+$0x30 ss:$0x1] =	vst.idx.msk $0xffff, v5;
	v7 =	vld.idx.msk [tilespmem:v0+s20+$0x40 ss:$0x1], $0xffff  }
0xb5: {  	s30 =	sadd.s32 s29, s9;
	[tilespmem:v1+s21+$0x30 ss:$0x1] =	vst.idx.msk $0xffff, v6;
	s2 =	smov.u32 @p0 s1;
	s1 =	sshll.u32 s24, $0x7;
	v5 =	vld.idx.msk [tilespmem:v0+s16+$0x40 ss:$0x1], $0xffff  }
0xb6: {  	s25 =	sadd.s32 s29, s4;
	p0 =	sgt.s32 s24, $0x5F;
	v6 =	vld.idx.msk [tilespmem:v0+s12+$0x40 ss:$0x1], $0xffff;
	[tilespmem:v1+s23+$0x30 ss:$0x1] =	vst.idx.msk $0xffff, v2;
	s12 =	sadd.s32 $0xFFFFD000, s1  }
0xb7: {  	s7 =	sshll.u32 s30, $0x7;
	s16 =	sadd.s32 $0xFFFFD000, s15;
	v2 =	vld.idx.msk [tilespmem:v0+s2+$0x40 ss:$0x1], $0xffff;
	s1 =	smov.u32 @p0 s12;
	[tilespmem:v1+s17+$0x30 ss:$0x1] =	vst.idx.msk $0xffff, v4  }
0xb8: {  	s24 =	rddreg [dreg:$0x18];
	s15 =	smov.u32 @p1 s16;
	s2 =	sshll.u32 s25, $0x7;
	[tilespmem:v1+s22+$0x30 ss:$0x1] =	vst.idx.msk $0xffff, v3;
	v4 =	vld.idx.msk [tilespmem:v0+s1+$0x40 ss:$0x1], $0xffff  }
0xb9: {  	s20 =	rddreg [dreg:$0x1c];
	p1 =	sgt.s32 s25, $0x5F;
	s12 =	sadd.s32 $0xFFFFD000, s2;
	v3 =	vld.idx.msk [tilespmem:v0+s15+$0x40 ss:$0x1], $0xffff;
	[tilespmem:v1+s0+$0x40 ss:$0x1] =	vst.idx.msk $0xffff, v7  }
0xba: {  	s2 =	smov.u32 @p1 s12;
	p1 =	sgt.s32 s30, $0x5F;
	s1 =	sadd.s32 $0xFFFFD000, s7;
	[tilespmem:v1+s13+$0x40 ss:$0x1] =	vst.idx.msk $0xffff, v5;
	v7 =	vld.idx.msk [tilespmem:v0+s31+$0x50 ss:$0x1], $0xffff  }
0xbb: {  	s6 =	sadd.s32 s24, s6;
	s7 =	smov.u32 @p1 s1;
	s1 =	sshll.u32 s3, $0x7;
	[tilespmem:v1+s21+$0x40 ss:$0x1] =	vst.idx.msk $0xffff, v6;
	v5 =	vld.idx.msk [tilespmem:v0+s11+$0x50 ss:$0x1], $0xffff  }
0xbc: {  	p0 =	sgt.s32 s28, $0x5F;
	p1 =	sgt.s32 s3, $0x5F;
	v6 =	vld.idx.msk [tilespmem:v0+s18+$0x50 ss:$0x1], $0xffff;
	[tilespmem:v1+s23+$0x40 ss:$0x1] =	vst.idx.msk $0xffff, v2;
	s11 =	sadd.s32 $0xFFFFD000, s1  }
0xbd: {  	s25 =	sadd.s32 s24, s8;
	s12 =	sshll.u32 s28, $0x7;
	v2 =	vld.idx.msk [tilespmem:v0+s2+$0x50 ss:$0x1], $0xffff;
	s1 =	smov.u32 @p1 s11;
	[tilespmem:v1+s17+$0x40 ss:$0x1] =	vst.idx.msk $0xffff, v4  }
0xbe: {  	s28 =	rddreg [dreg:$0x19];
	s15 =	sadd.s32 s26, s9;
	s18 =	sadd.s32 s26, s10;
	[tilespmem:v1+s22+$0x40 ss:$0x1] =	vst.idx.msk $0xffff, v3;
	v4 =	vld.idx.msk [tilespmem:v0+s1+$0x50 ss:$0x1], $0xffff  }
0xbf: {  	s26 =	smov.u32 s24;
	s11 =	sshll.u32 s15, $0x7;
	p1 =	sgt.s32 s15, $0x5F;
	v3 =	vld.idx.msk [tilespmem:v0+s7+$0x50 ss:$0x1], $0xffff;
	[tilespmem:v1+s0+$0x50 ss:$0x1] =	vst.idx.msk $0xffff, v7  }
0xc0: {  	s4 =	sadd.s32 s26, s4;
	s29 =	sadd.s32 s26, s9;
	s2 =	sadd.s32 $0xFFFFD000, s11;
	[tilespmem:v1+s13+$0x50 ss:$0x1] =	vst.idx.msk $0xffff, v5;
	v7 =	vld.idx.msk [tilespmem:v0+s19+$0x60 ss:$0x1], $0xffff  }
0xc1: {  	s11 =	smov.u32 @p1 s2;
	s2 =	sshll.u32 s18, $0x7;
	s7 =	sadd.s32 $0xFFFFD000, s12;
	[tilespmem:v1+s21+$0x50 ss:$0x1] =	vst.idx.msk $0xffff, v6;
	v5 =	vld.idx.msk [tilespmem:v0+s20+$0x60 ss:$0x1], $0xffff  }
0xc2: {  	s1 =	sadd.s32 $0xFFFFD000, s2;
	s12 =	smov.u32 @p0 s7;
	p0 =	sgt.s32 s18, $0x5F;
	v6 =	vld.idx.msk [tilespmem:v0+s5+$0x60 ss:$0x1], $0xffff;
	[tilespmem:v1+s23+$0x50 ss:$0x1] =	vst.idx.msk $0xffff, v2  }
0xc3: {  	s30 =	sadd.s32 s26, s10;
	p1 =	sgt.s32 s25, $0x5F;
	s2 =	smov.u32 @p0 s1;
	v2 =	vld.idx.msk [tilespmem:v0+s12+$0x60 ss:$0x1], $0xffff;
	[tilespmem:v1+s17+$0x50 ss:$0x1] =	vst.idx.msk $0xffff, v4  }
0xc4: {  	p0 =	sgt.s32 s6, $0x5F;
	s5 =	sshll.u32 s6, $0x7;
	s1 =	sshll.u32 s25, $0x7;
	[tilespmem:v1+s22+$0x50 ss:$0x1] =	vst.idx.msk $0xffff, v3;
	v4 =	vld.idx.msk [tilespmem:v0+s2+$0x60 ss:$0x1], $0xffff  }
0xc5: {  	s6 =	sadd.s32 $0xFFFFD000, s5;
	s7 =	sadd.s32 $0xFFFFD000, s1;
	s2 =	sshll.u32 s4, $0x7;
	v3 =	vld.idx.msk [tilespmem:v0+s11+$0x60 ss:$0x1], $0xffff;
	[tilespmem:v1+s0+$0x60 ss:$0x1] =	vst.idx.msk $0xffff, v7  }
0xc6: {  	s5 =	smov.u32 @p0 s6;
	p0 =	sgt.s32 s4, $0x5F;
	s4 =	sadd.s32 $0xFFFFD000, s2;
	[tilespmem:v1+s13+$0x60 ss:$0x1] =	vst.idx.msk $0xffff, v5;
	v7 =	vld.idx.msk [tilespmem:v0+s28+$0x70 ss:$0x1], $0xffff  }
0xc7: {  	s1 =	smov.u32 @p1 s7;
	[tilespmem:v1+s21+$0x60 ss:$0x1] =	vst.idx.msk $0xffff, v6;
	s2 =	smov.u32 @p0 s4;
	s4 =	sshll.u32 s29, $0x7;
	v5 =	vld.idx.msk [tilespmem:v0+s5+$0x70 ss:$0x1], $0xffff  }
0xc8: {  	s3 =	sshll.u32 s30, $0x7;
	p0 =	sgt.s32 s29, $0x5F;
	v6 =	vld.idx.msk [tilespmem:v0+s1+$0x70 ss:$0x1], $0xffff;
	s1 =	sadd.s32 $0xFFFFD000, s4  }
0xc9: {  	[tilespmem:v1+s23+$0x60 ss:$0x1] =	vst.idx.msk $0xffff, v2;
	s4 =	smov.u32 @p0 s1;
	p0 =	sgt.s32 s30, $0x5F;
	s1 =	sadd.s32 $0xFFFFD000, s3  }
0xca: {  	v2 =	vld.idx.msk [tilespmem:v0+s2+$0x70 ss:$0x1], $0xffff;
	s3 =	smov.u32 @p0 s1;
	[tilespmem:v1+s17+$0x60 ss:$0x1] =	vst.idx.msk $0xffff, v4  }
0xcb: {  	[tilespmem:v1+s22+$0x60 ss:$0x1] =	vst.idx.msk $0xffff, v3;
	v4 =	vld.idx.msk [tilespmem:v0+s3+$0x70 ss:$0x1], $0xffff  }
0xcc: {  	p0 =	slt.u32 s14, $0x58;
	v3 =	vld.idx.msk [tilespmem:v0+s4+$0x70 ss:$0x1], $0xffff;
	[tilespmem:v1+s0+$0x70 ss:$0x1] =	vst.idx.msk $0xffff, v7  }
.Ltmp1:
0xcd: {  	[tilespmem:v1+s13+$0x70 ss:$0x1] =	vst.idx.msk $0xffff, v5;
	(pc) =	sbr.rel @p0 .LBB2_5-.Ltmp1, $4  }
0xce: {  	[tilespmem:v1+s21+$0x70 ss:$0x1] =	vst.idx.msk $0xffff, v6  }
0xcf: {  	[tilespmem:v1+s23+$0x70 ss:$0x1] =	vst.idx.msk $0xffff, v2  }
0xd0: {  	s31 =	sadd.s32 $0x8, s14;
	[tilespmem:v1+s17+$0x70 ss:$0x1] =	vst.idx.msk $0xffff, v4  }
0xd1: {  	s14 =	smov.u32 s31;
	[tilespmem:v1+s22+$0x70 ss:$0x1] =	vst.idx.msk $0xffff, v3  }
0xd2: {  	s0 =	rddreg [dreg:$0xd]  }
0xd3: {  	s1 =	rddreg [dreg:$0x4]  }
0xd4: {  	s2 =	rddreg [dreg:$0xc]  }
0xd5: {  	s0 =	smul.u32 $0xD80000, s0;
	s1 =	sadd.s32 s1, s2  }
0xd6: {  	s26 =	rddreg [dreg:$0x9];
	s1 =	smul.u32 $0x9000, s1  }
0xd7: {  	s28 =	rddreg [dreg:$0x10]  }
0xd8: {  	s2 =	smul.u32 $0xC000, s28;
	s0 =	sadd.s32 s0, s1;
	s1 =	sshll.u32 s26, $0xA  }
0xd9: {  	s30 =	rddreg [dreg:$0x2];
	s0 =	sadd.s32 s1, s0  }
0xda: {  	s31 =	simm.s32 $0x400;
	s29 =	sshrl.u32 s2, $0x2;
	s0 =	sshrl.u32 s0, $0x3  }
0xdb: {  	s3 =	simm.s32 $0xC00;
	s1 =	sadd.s32 $0x6900, s29;
	s0 =	sadd.s32 s30, s0  }
0xdc: {  	[hbm4b:s0+s31] =	stream.strided.scatter [tilespmem:s1], [sflag:$0x2], $0x3000, s3, s31, $0x38;
	[tilespmem:$0xC900] =	vst v63  }
0xdd: {  	s0 =	rddreg [dreg:$0xf]  }
0xde: {  	p0 =	sne.s32 s0, $0x90  }
.Ltmp2:
0xdf: {  	_ = 	snop;
	(pc) =	sbr.rel @p0 .LBB2_2-.Ltmp2, $4  }
0xe0: {  	_ = 	snop  }
0xe1: {  	s5 =	rddreg [dreg:$0xa]  }
0xe2: {  	s8 =	rddreg [dreg:$0xb]  }
0xe3: {  	s9 =	rddreg [dreg:$0xe]  }
0xe4: {  	s1 =	simm.s32 $0x2  }
0xe5: {  	_ =	swait.ge [sflag:s1], $0x3000  }
0xe6: {  	s2 =	rddreg [dreg:$0x8]  }
0xe7: {  	s0 =	rddreg [dreg:$0x7];
	s2 =	sadd.s32 $0x1, s2  }
0xe8: {  	p0 =	sne.s32 s2, s0  }
.Ltmp3:
0xe9: {  	_ = 	snop;
	(pc) =	sbr.rel @p0 .LBB2_1-.Ltmp3, $3  }
0xea: {  	_ =	sdelay $0x1  }
0xeb: {  	[sflag:s1] =	ssyncset.done $0x0  }
0xec: {  	[sflag:s1] =	ssyncadd.s32 $0xFFFFD000  }
0xed: {  	_ =	sfence.sel $0x180000  }
0xee: {  	[bflag:$0x0] =	sbarrier.arrive $0xFFFF  }
0xef: {  	_ =	strace $0x90000047  }
0xf0: {  	s0 =	stileid.u32;
	[bflag:$0x2] =	sbarrier.arrive $0xFFFF  }
0xf1: {  	p0 =	sne.s32 s0, $0x0;
	s0 =	rddreg [dreg:$0x3]  }
0xf2: {  	s0 =	sadd.s32 @!p0 $0x100000, s0  }
0xf3: {  	[sflag:s0] =	ssyncadd.tile.s32 @!p0 $0x1;
	_ =	shalt  }
.Lfunc_end2:
_tile_overlayer_lowered:
.L_overlay_start_2:
0xf4: {  	(tag) =	ssettag $0x2  }
0xf5: {  	s0 =	rddreg [dreg:$0x0];
	s2 =	stileid.u32  }
0xf6: {  	s1 =	rddreg [dreg:$0x1];
	p0 =	sne.s32 s2, $0x0  }
0xf7: {  	s3 =	rddreg [dreg:$0x2];
	[bflag:$0x3] =	sbarrier.arrive $0xFFFF;
	s2 =	simm.s32 @!p0 $0x1C03  }
0xf8: {  	[timem:s3], [sflag:s2] =	dma.local @!p0 [hbm:s0], s1  }
0xf9: {  	s0 =	simm.s32 @!p0 $0x3  }
0xfa: {  	_ =	swait.ge @!p0 [sflag:s0], s1  }
0xfb: {  	s1 =	ssub.s32 @!p0 $0x0, s1;
	[sflag:s0] =	ssyncset.done @!p0 $0x0  }
0xfc: {  	[sflag:s0] =	ssyncadd.s32 @!p0 s1  }
0xfd: {  	[bflag:$0x3] =	sbarrier.arrive $0xFFFF  }
0xfe: {  	_ =	shalt  }

</sc_bundles>
